<compile_context>
chip_gen: v7x
topology: tpu7x:2x2x1
jax: 0.10.2.dev20260603
libtpu: 0.0.44.dev20260713+nightly
codegen_flags: <defaults>
</compile_context>

<pallas_src>
import functools

import jax
import jax.numpy as jnp
from jax import lax
from jax.experimental import pallas as pl
from jax.experimental.pallas import tpu as pltpu
from jax.experimental.pallas import tpu_sc as plsc

HIDDEN = 128
SEQ = 2048
SEG_LEN = 1024
PAD_WORD = 0
NC = 2
NS = 16
NW = NC * NS
BPW = SEQ // NW
NCH = HIDDEN // 16
EPS = 1e-5
MAGIC = 0x5F3759DF


def _emb_ln_body(ids_hbm, wemb_hbm, pemb_hbm, semb_hbm, lnw_hbm, lnb_hbm,
                 out_hbm, mask_hbm,
                 idx_v, rows_v, pos_v, seg_v, lnw_v, lnb_v, mask_v, sem):
    wid = lax.axis_index("s") * NC + lax.axis_index("c")
    base = wid * BPW

    pltpu.sync_copy(ids_hbm.at[pl.ds(base, BPW)], idx_v)
    gather = pltpu.async_copy(wemb_hbm.at[idx_v], rows_v, sem)

    pos_base = lax.rem(base, SEG_LEN)
    pltpu.sync_copy(pemb_hbm.at[pl.ds(pos_base, BPW)], pos_v)
    seg_id = base // SEG_LEN
    pltpu.sync_copy(semb_hbm.at[pl.ds(seg_id, 1)], seg_v)
    pltpu.sync_copy(lnw_hbm, lnw_v)
    pltpu.sync_copy(lnb_hbm, lnb_v)

    for j in range(BPW // 16):
        ids16 = idx_v[pl.ds(j * 16, 16)]
        mask_v[pl.ds(j * 16, 16)] = jnp.where(
            ids16 == PAD_WORD, jnp.int32(1), jnp.int32(0))
    pltpu.sync_copy(mask_v, mask_hbm.at[pl.ds(base, BPW)])

    segs = [seg_v[0, pl.ds(c * 16, 16)] for c in range(NCH)]
    lnws = [lnw_v[pl.ds(c * 16, 16)] for c in range(NCH)]
    lnbs = [lnb_v[pl.ds(c * 16, 16)] for c in range(NCH)]
    inv_d = jnp.float32(1.0 / HIDDEN)

    gather.wait()

    lanes = lax.iota(jnp.int32, 16)
    perms = [lax.bitwise_xor(lanes, jnp.int32(s)) for s in (8, 4, 2, 1)]

    def hsum(t):
        for idx in perms:
            t = t + t.at[idx].get(mode="promise_in_bounds",
                                  unique_indices=True)
        return t

    def row_body(i, carry):
        vs = []
        for c in range(NCH):
            w = rows_v[i, pl.ds(c * 16, 16)]
            p = pos_v[i, pl.ds(c * 16, 16)]
            vs.append(w + p + segs[c])
        sq = [v * v for v in vs]
        t0 = (vs[0] + vs[1]) + (vs[2] + vs[3])
        t1 = (vs[4] + vs[5]) + (vs[6] + vs[7])
        s0 = (sq[0] + sq[1]) + (sq[2] + sq[3])
        s1 = (sq[4] + sq[5]) + (sq[6] + sq[7])
        mean = hsum(t0 + t1) * inv_d
        ex2 = hsum(s0 + s1) * inv_d
        x = ex2 - mean * mean + EPS
        iv = lax.bitcast_convert_type(x, jnp.int32)
        y = lax.bitcast_convert_type(
            jnp.int32(MAGIC) - lax.shift_right_logical(iv, 1), jnp.float32)
        half_x = x * 0.5
        for _ in range(3):
            y = y * (1.5 - half_x * y * y)
        neg_my = -(mean * y)
        for c in range(NCH):
            a = y * lnws[c]
            b = neg_my * lnws[c] + lnbs[c]
            rows_v[i, pl.ds(c * 16, 16)] = vs[c] * a + b
        return carry

    lax.fori_loop(0, BPW, row_body, 0, unroll=4)
    pltpu.sync_copy(rows_v, out_hbm.at[pl.ds(base, BPW)])


@jax.jit
def _emb_ln(ids, word_emb, pos_emb, seg_emb, ln_weight, ln_bias):
    mesh = plsc.VectorSubcoreMesh(
        core_axis_name="c", subcore_axis_name="s", num_cores=NC)
    return pl.kernel(
        _emb_ln_body,
        out_type=[
            jax.ShapeDtypeStruct((SEQ, HIDDEN), jnp.float32),
            jax.ShapeDtypeStruct((SEQ,), jnp.int32),
        ],
        mesh=mesh,
        scratch_types=[
            pltpu.VMEM((BPW,), jnp.int32),
            pltpu.VMEM((BPW, HIDDEN), jnp.float32),
            pltpu.VMEM((BPW, HIDDEN), jnp.float32),
            pltpu.VMEM((1, HIDDEN), jnp.float32),
            pltpu.VMEM((HIDDEN,), jnp.float32),
            pltpu.VMEM((HIDDEN,), jnp.float32),
            pltpu.VMEM((BPW,), jnp.int32),
            pltpu.SemaphoreType.DMA,
        ],
    )(ids, word_emb, pos_emb, seg_emb, ln_weight, ln_bias)


def kernel(input_ids_0, input_ids_1, word_emb, pos_emb, seg_emb, ln_weight,
           ln_bias):
    ids = jnp.concatenate([input_ids_0[0], input_ids_1[0, 1:]])
    out, mask = _emb_ln(ids, word_emb, pos_emb, seg_emb, ln_weight, ln_bias)
    return out[None], (mask != 0)[None]

# --- scband reference (transcript-rebuilt; emitter-appended) ---
"""Pipeline reference for scband-embeddings-35227321762347 (READ-ONLY COPY).

The authoritative reference and input builder live on the scoring server;
editing this copy changes nothing except your own understanding.
"""

import jax, jax.numpy as jnp
import numpy as np

HIDDEN = 128
VOCAB = 1000000
MAXPOS = 2048
MAXSEG = 3
PAD_WORD = 0
PAD_POS = MAXPOS - 1
PAD_SEG = MAXSEG - 1


def setup_inputs(seed: int = 0) -> dict:
    key = jax.random.key(seed)
    k1, k2, k3, k4, k5, k6, k7 = jax.random.split(key, 7)
    input_ids_0 = jax.random.randint(k1, (1, 1024), 0, VOCAB, dtype=jnp.int32)
    input_ids_1 = jax.random.randint(k2, (1, 1025), 0, VOCAB, dtype=jnp.int32)
    word_emb = jax.random.normal(k3, (VOCAB, HIDDEN), dtype=jnp.float32)
    word_emb = word_emb.at[PAD_WORD].set(0.0)
    pos_emb = jax.random.normal(k4, (MAXPOS, HIDDEN), dtype=jnp.float32)
    pos_emb = pos_emb.at[PAD_POS].set(0.0)
    seg_emb = jax.random.normal(k5, (MAXSEG, HIDDEN), dtype=jnp.float32)
    seg_emb = seg_emb.at[PAD_SEG].set(0.0)
    ln_weight = jnp.ones((HIDDEN,), dtype=jnp.float32)
    ln_bias = jnp.zeros((HIDDEN,), dtype=jnp.float32)
    return {
        "input_ids_0": input_ids_0,
        "input_ids_1": input_ids_1,
        "word_emb": word_emb,
        "pos_emb": pos_emb,
        "seg_emb": seg_emb,
        "ln_weight": ln_weight,
        "ln_bias": ln_bias,
    }


def reference(input_ids_0, input_ids_1, word_emb, pos_emb, seg_emb, ln_weight, ln_bias):
    # input_ids_list = [idx[:, 1:] if i > 0 else idx ...]
    ids1 = input_ids_1[:, 1:]
    s0 = input_ids_0.shape[1]
    s1 = ids1.shape[1]
    # position ids restart per segment, concatenated along seq dim
    position_ids = jnp.concatenate(
        [jnp.arange(s0, dtype=jnp.int32), jnp.arange(s1, dtype=jnp.int32)]
    )[None, :]
    segment_ids = jnp.concatenate(
        [jnp.zeros((s0,), dtype=jnp.int32), jnp.ones((s1,), dtype=jnp.int32)]
    )[None, :]
    input_ids = jnp.concatenate([input_ids_0, ids1], axis=-1)
    total = s0 + s1
    if total < MAXPOS:
        input_ids = jnp.pad(input_ids, ((0, 0), (0, MAXPOS - total)), constant_values=PAD_WORD)
        position_ids = jnp.pad(position_ids, ((0, 0), (0, MAXPOS - total)), constant_values=PAD_POS)
        segment_ids = jnp.pad(segment_ids, ((0, 0), (0, MAXPOS - total)), constant_values=PAD_SEG)
    padding_mask = input_ids == PAD_WORD
    words_embeddings = jnp.take(word_emb, input_ids, axis=0)
    position_embeddings = jnp.take(pos_emb, position_ids, axis=0)
    segment_embeddings = jnp.take(seg_emb, segment_ids, axis=0)
    emb = words_embeddings + position_embeddings + segment_embeddings
    mean = jnp.mean(emb, axis=-1, keepdims=True)
    var = jnp.mean((emb - mean) ** 2, axis=-1, keepdims=True)
    out = (emb - mean) / jnp.sqrt(var + 1e-5) * ln_weight + ln_bias
    # dropout is identity in eval mode
    return out, padding_mask

if __name__ == "__main__":
    import jax
    _d = setup_inputs()
    print(jax.jit(kernel)(*tuple(_d.values())))

</pallas_src>

<mosaic_0001>
#map = affine_map<(d0, d1) -> (0)>
#map1 = affine_map<(d0, d1) -> (0, 0)>
module attributes {stable_mosaic.version = 14 : i64} {
  func.func @_emb_ln_body(%arg0: i32, %arg1: i32, %arg2: memref<2048xi32, #tpu.memory_space<hbm>>, %arg3: memref<1000000x128xf32, #tpu.memory_space<hbm>>, %arg4: memref<2048x128xf32, #tpu.memory_space<hbm>>, %arg5: memref<3x128xf32, #tpu.memory_space<hbm>>, %arg6: memref<128xf32, #tpu.memory_space<hbm>>, %arg7: memref<128xf32, #tpu.memory_space<hbm>>, %arg8: memref<2048x128xf32, #tpu.memory_space<hbm>>, %arg9: memref<2048xi32, #tpu.memory_space<hbm>>, %arg10: memref<64xi32, #tpu.memory_space<vmem>>, %arg11: memref<64x128xf32, #tpu.memory_space<vmem>>, %arg12: memref<64x128xf32, #tpu.memory_space<vmem>>, %arg13: memref<1x128xf32, #tpu.memory_space<vmem>>, %arg14: memref<128xf32, #tpu.memory_space<vmem>>, %arg15: memref<128xf32, #tpu.memory_space<vmem>>, %arg16: memref<64xi32, #tpu.memory_space<vmem>>, %arg17: memref<!tpu.dma_semaphore, #tpu.memory_space<semaphore_mem>>) attributes {dimension_semantics = [#tpu.dimension_semantics<core_parallel>, #tpu.dimension_semantics<subcore_parallel>], iteration_bounds = array<i64: 2, 16>, scalar_prefetch = 0 : i64, scratch_operands = 8 : i64, tpu.core_type = #tpu.core_type<sc_vector_subcore>, window_params = [{transform_indices = #map}, {transform_indices = #map1}, {transform_indices = #map1}, {transform_indices = #map1}, {transform_indices = #map}, {transform_indices = #map}, {transform_indices = #map1}, {transform_indices = #map}]} {
    %mul3A = arith.constant 2 : i32
    %mul3A_0 = arith.muli %arg1, %mul3A : i32
    %add3A = arith.addi %mul3A_0, %arg0 : i32
    %mul3A_1 = arith.constant 64 : i32
    %mul3A_2 = arith.muli %add3A, %mul3A_1 : i32
    "tpu.region"() ({
      %run_scoped3A = tpu.sem_alloc : memref<!tpu.dma_semaphore, #tpu.memory_space<semaphore_mem>>
      %dma_start3A_186 = tpu.memref_slice %arg2[%mul3A_2] : memref<2048xi32, #tpu.memory_space<hbm>> -> memref<64xi32, #tpu.memory_space<hbm>>
      %dma_start3A_187 = tpu.memref_slice %arg2[%mul3A_2] : memref<2048xi32, #tpu.memory_space<hbm>> -> memref<64xi32, #tpu.memory_space<hbm>>
      tpu.enqueue_dma source(%dma_start3A_187 : memref<64xi32, #tpu.memory_space<hbm>>) target(%arg10 : memref<64xi32, #tpu.memory_space<vmem>>) target_semaphore(%run_scoped3A : memref<!tpu.dma_semaphore, #tpu.memory_space<semaphore_mem>>)
      %dma_wait3A_188 = tpu.memref_slice %arg2[%mul3A_2] : memref<2048xi32, #tpu.memory_space<hbm>> -> memref<64xi32, #tpu.memory_space<hbm>>
      %dma_wait3A_189 = tpu.memref_slice %arg2[%mul3A_2] : memref<2048xi32, #tpu.memory_space<hbm>> -> memref<64xi32, #tpu.memory_space<hbm>>
      tpu.wait_dma2 semaphore(%run_scoped3A : memref<!tpu.dma_semaphore, #tpu.memory_space<semaphore_mem>>) src(%dma_wait3A_189 : memref<64xi32, #tpu.memory_space<hbm>>) dst(%arg10 : memref<64xi32, #tpu.memory_space<vmem>>)
      tpu.yield
    }) : () -> ()
    %dma_start3A = arith.constant 0 : i32
    %dma_start3A_3 = arith.constant 0 : i32
    %dma_start3A_4 = tpu.memref_slice %arg3[%dma_start3A, %dma_start3A_3] : memref<1000000x128xf32, #tpu.memory_space<hbm>> -> memref<1000000x128xf32, #tpu.memory_space<hbm>>
    tpu.enqueue_indirect_dma source(%dma_start3A_4 : memref<1000000x128xf32, #tpu.memory_space<hbm>>) target(%arg11 : memref<64x128xf32, #tpu.memory_space<vmem>>) offsets(%arg10 : memref<64xi32, #tpu.memory_space<vmem>>) semaphore(%arg17 : memref<!tpu.dma_semaphore, #tpu.memory_space<semaphore_mem>>)
    %rem3A = arith.constant 1024 : i32
    %rem3A_5 = arith.remsi %mul3A_2, %rem3A : i32
    "tpu.region"() ({
      %run_scoped3A = tpu.sem_alloc : memref<!tpu.dma_semaphore, #tpu.memory_space<semaphore_mem>>
      %dma_start3A_186 = arith.constant 0 : i32
      %dma_start3A_187 = tpu.memref_slice %arg4[%rem3A_5, %dma_start3A_186] : memref<2048x128xf32, #tpu.memory_space<hbm>> -> memref<64x128xf32, #tpu.memory_space<hbm>>
      %dma_start3A_188 = arith.constant 0 : i32
      %dma_start3A_189 = tpu.memref_slice %arg4[%rem3A_5, %dma_start3A_188] : memref<2048x128xf32, #tpu.memory_space<hbm>> -> memref<64x128xf32, #tpu.memory_space<hbm>>
      tpu.enqueue_dma source(%dma_start3A_189 : memref<64x128xf32, #tpu.memory_space<hbm>>) target(%arg12 : memref<64x128xf32, #tpu.memory_space<vmem>>) target_semaphore(%run_scoped3A : memref<!tpu.dma_semaphore, #tpu.memory_space<semaphore_mem>>)
      %dma_wait3A_190 = arith.constant 0 : i32
      %dma_wait3A_191 = tpu.memref_slice %arg4[%rem3A_5, %dma_wait3A_190] : memref<2048x128xf32, #tpu.memory_space<hbm>> -> memref<64x128xf32, #tpu.memory_space<hbm>>
      %dma_wait3A_192 = arith.constant 0 : i32
      %dma_wait3A_193 = tpu.memref_slice %arg4[%rem3A_5, %dma_wait3A_192] : memref<2048x128xf32, #tpu.memory_space<hbm>> -> memref<64x128xf32, #tpu.memory_space<hbm>>
      tpu.wait_dma2 semaphore(%run_scoped3A : memref<!tpu.dma_semaphore, #tpu.memory_space<semaphore_mem>>) src(%dma_wait3A_193 : memref<64x128xf32, #tpu.memory_space<hbm>>) dst(%arg12 : memref<64x128xf32, #tpu.memory_space<vmem>>)
      tpu.yield
    }) : () -> ()
    %jit3A = arith.constant 1024 : i32
    %div3A = arith.divsi %mul3A_2, %jit3A : i32
    %sign3A = arith.constant 0 : i32
    %sign3A_6 = arith.cmpi sgt, %mul3A_2, %sign3A : i32
    %sign3A_7 = arith.extui %sign3A_6 : i1 to i32
    %sign3A_8 = arith.constant 0 : i32
    %sign3A_9 = arith.cmpi slt, %mul3A_2, %sign3A_8 : i32
    %sign3A_10 = arith.extui %sign3A_9 : i1 to i32
    %sign3A_11 = arith.subi %sign3A_7, %sign3A_10 : i32
    %sign3A_12 = arith.constant 0 : i32
    %sign3A_13 = arith.cmpi sgt, %jit3A, %sign3A_12 : i32
    %sign3A_14 = arith.extui %sign3A_13 : i1 to i32
    %sign3A_15 = arith.constant 0 : i32
    %sign3A_16 = arith.cmpi slt, %jit3A, %sign3A_15 : i32
    %sign3A_17 = arith.extui %sign3A_16 : i1 to i32
    %sign3A_18 = arith.subi %sign3A_14, %sign3A_17 : i32
    %ne3A = arith.cmpi ne, %sign3A_11, %sign3A_18 : i32
    %rem3A_19 = arith.remsi %mul3A_2, %jit3A : i32
    %ne3A_20 = arith.constant 0 : i32
    %ne3A_21 = arith.cmpi ne, %rem3A_19, %ne3A_20 : i32
    %and3A = arith.andi %ne3A, %ne3A_21 : i1
    %sub3A = arith.constant 1 : i32
    %sub3A_22 = arith.subi %div3A, %sub3A : i32
    %select_n3A = arith.select %and3A, %sub3A_22, %div3A : i32
    "tpu.region"() ({
      %run_scoped3A = tpu.sem_alloc : memref<!tpu.dma_semaphore, #tpu.memory_space<semaphore_mem>>
      %dma_start3A_186 = arith.constant 0 : i32
      %dma_start3A_187 = tpu.memref_slice %arg5[%select_n3A, %dma_start3A_186] : memref<3x128xf32, #tpu.memory_space<hbm>> -> memref<1x128xf32, #tpu.memory_space<hbm>>
      %dma_start3A_188 = arith.constant 0 : i32
      %dma_start3A_189 = tpu.memref_slice %arg5[%select_n3A, %dma_start3A_188] : memref<3x128xf32, #tpu.memory_space<hbm>> -> memref<1x128xf32, #tpu.memory_space<hbm>>
      tpu.enqueue_dma source(%dma_start3A_189 : memref<1x128xf32, #tpu.memory_space<hbm>>) target(%arg13 : memref<1x128xf32, #tpu.memory_space<vmem>>) target_semaphore(%run_scoped3A : memref<!tpu.dma_semaphore, #tpu.memory_space<semaphore_mem>>)
      %dma_wait3A_190 = arith.constant 0 : i32
      %dma_wait3A_191 = tpu.memref_slice %arg5[%select_n3A, %dma_wait3A_190] : memref<3x128xf32, #tpu.memory_space<hbm>> -> memref<1x128xf32, #tpu.memory_space<hbm>>
      %dma_wait3A_192 = arith.constant 0 : i32
      %dma_wait3A_193 = tpu.memref_slice %arg5[%select_n3A, %dma_wait3A_192] : memref<3x128xf32, #tpu.memory_space<hbm>> -> memref<1x128xf32, #tpu.memory_space<hbm>>
      tpu.wait_dma2 semaphore(%run_scoped3A : memref<!tpu.dma_semaphore, #tpu.memory_space<semaphore_mem>>) src(%dma_wait3A_193 : memref<1x128xf32, #tpu.memory_space<hbm>>) dst(%arg13 : memref<1x128xf32, #tpu.memory_space<vmem>>)
      tpu.yield
    }) : () -> ()
    "tpu.region"() ({
      %run_scoped3A = tpu.sem_alloc : memref<!tpu.dma_semaphore, #tpu.memory_space<semaphore_mem>>
      tpu.enqueue_dma source(%arg6 : memref<128xf32, #tpu.memory_space<hbm>>) target(%arg14 : memref<128xf32, #tpu.memory_space<vmem>>) target_semaphore(%run_scoped3A : memref<!tpu.dma_semaphore, #tpu.memory_space<semaphore_mem>>)
      tpu.wait_dma2 semaphore(%run_scoped3A : memref<!tpu.dma_semaphore, #tpu.memory_space<semaphore_mem>>) src(%arg6 : memref<128xf32, #tpu.memory_space<hbm>>) dst(%arg14 : memref<128xf32, #tpu.memory_space<vmem>>)
      tpu.yield
    }) : () -> ()
    "tpu.region"() ({
      %run_scoped3A = tpu.sem_alloc : memref<!tpu.dma_semaphore, #tpu.memory_space<semaphore_mem>>
      tpu.enqueue_dma source(%arg7 : memref<128xf32, #tpu.memory_space<hbm>>) target(%arg15 : memref<128xf32, #tpu.memory_space<vmem>>) target_semaphore(%run_scoped3A : memref<!tpu.dma_semaphore, #tpu.memory_space<semaphore_mem>>)
      tpu.wait_dma2 semaphore(%run_scoped3A : memref<!tpu.dma_semaphore, #tpu.memory_space<semaphore_mem>>) src(%arg7 : memref<128xf32, #tpu.memory_space<hbm>>) dst(%arg15 : memref<128xf32, #tpu.memory_space<vmem>>)
      tpu.yield
    }) : () -> ()
    %get3A = arith.constant 0 : index
    %get3A_23 = tpu.vector_load %arg10[%get3A] {strides = array<i32>} : memref<64xi32, #tpu.memory_space<vmem>>, vector<16xi32>,
    %get3A_24 = vector.shape_cast %get3A_23 : vector<16xi32> to vector<16xi32>
    %eq3A = arith.constant 0 : i32
    %eq3A_25 = vector.broadcast %eq3A : i32 to vector<16xi32>
    %eq3A_26 = arith.cmpi eq, %get3A_24, %eq3A_25 : vector<16xi32>
    %jit3A_27 = arith.constant 1 : i32
    %jit3A_28 = arith.constant 0 : i32
    %broadcast_in_dim3A = vector.broadcast %jit3A_27 : i32 to vector<16xi32>
    %broadcast_in_dim3A_29 = vector.broadcast %jit3A_28 : i32 to vector<16xi32>
    %select_n3A_30 = arith.select %eq3A_26, %broadcast_in_dim3A, %broadcast_in_dim3A_29 : vector<16xi1>, vector<16xi32>
    %swap3A = arith.constant 0 : index
    %swap3A_31 = tpu.vector_load %arg16[%swap3A] {strides = array<i32>} : memref<64xi32, #tpu.memory_space<vmem>>, vector<16xi32>,
    %swap3A_32 = vector.shape_cast %swap3A_31 : vector<16xi32> to vector<16xi32>
    %swap3A_33 = vector.shape_cast %select_n3A_30 : vector<16xi32> to vector<16xi32>
    tpu.vector_store %arg16[%swap3A], %swap3A_33 {strides = array<i32>} : memref<64xi32, #tpu.memory_space<vmem>>, vector<16xi32>,
    %get3A_34 = arith.constant 16 : index
    %get3A_35 = tpu.vector_load %arg10[%get3A_34] {strides = array<i32>} : memref<64xi32, #tpu.memory_space<vmem>>, vector<16xi32>,
    %get3A_36 = vector.shape_cast %get3A_35 : vector<16xi32> to vector<16xi32>
    %eq3A_37 = arith.constant 0 : i32
    %eq3A_38 = vector.broadcast %eq3A_37 : i32 to vector<16xi32>
    %eq3A_39 = arith.cmpi eq, %get3A_36, %eq3A_38 : vector<16xi32>
    %jit3A_40 = arith.constant 1 : i32
    %jit3A_41 = arith.constant 0 : i32
    %broadcast_in_dim3A_42 = vector.broadcast %jit3A_40 : i32 to vector<16xi32>
    %broadcast_in_dim3A_43 = vector.broadcast %jit3A_41 : i32 to vector<16xi32>
    %select_n3A_44 = arith.select %eq3A_39, %broadcast_in_dim3A_42, %broadcast_in_dim3A_43 : vector<16xi1>, vector<16xi32>
    %swap3A_45 = arith.constant 16 : index
    %swap3A_46 = tpu.vector_load %arg16[%swap3A_45] {strides = array<i32>} : memref<64xi32, #tpu.memory_space<vmem>>, vector<16xi32>,
    %swap3A_47 = vector.shape_cast %swap3A_46 : vector<16xi32> to vector<16xi32>
    %swap3A_48 = vector.shape_cast %select_n3A_44 : vector<16xi32> to vector<16xi32>
    tpu.vector_store %arg16[%swap3A_45], %swap3A_48 {strides = array<i32>} : memref<64xi32, #tpu.memory_space<vmem>>, vector<16xi32>,
    %get3A_49 = arith.constant 32 : index
    %get3A_50 = tpu.vector_load %arg10[%get3A_49] {strides = array<i32>} : memref<64xi32, #tpu.memory_space<vmem>>, vector<16xi32>,
    %get3A_51 = vector.shape_cast %get3A_50 : vector<16xi32> to vector<16xi32>
    %eq3A_52 = arith.constant 0 : i32
    %eq3A_53 = vector.broadcast %eq3A_52 : i32 to vector<16xi32>
    %eq3A_54 = arith.cmpi eq, %get3A_51, %eq3A_53 : vector<16xi32>
    %jit3A_55 = arith.constant 1 : i32
    %jit3A_56 = arith.constant 0 : i32
    %broadcast_in_dim3A_57 = vector.broadcast %jit3A_55 : i32 to vector<16xi32>
    %broadcast_in_dim3A_58 = vector.broadcast %jit3A_56 : i32 to vector<16xi32>
    %select_n3A_59 = arith.select %eq3A_54, %broadcast_in_dim3A_57, %broadcast_in_dim3A_58 : vector<16xi1>, vector<16xi32>
    %swap3A_60 = arith.constant 32 : index
    %swap3A_61 = tpu.vector_load %arg16[%swap3A_60] {strides = array<i32>} : memref<64xi32, #tpu.memory_space<vmem>>, vector<16xi32>,
    %swap3A_62 = vector.shape_cast %swap3A_61 : vector<16xi32> to vector<16xi32>
    %swap3A_63 = vector.shape_cast %select_n3A_59 : vector<16xi32> to vector<16xi32>
    tpu.vector_store %arg16[%swap3A_60], %swap3A_63 {strides = array<i32>} : memref<64xi32, #tpu.memory_space<vmem>>, vector<16xi32>,
    %get3A_64 = arith.constant 48 : index
    %get3A_65 = tpu.vector_load %arg10[%get3A_64] {strides = array<i32>} : memref<64xi32, #tpu.memory_space<vmem>>, vector<16xi32>,
    %get3A_66 = vector.shape_cast %get3A_65 : vector<16xi32> to vector<16xi32>
    %eq3A_67 = arith.constant 0 : i32
    %eq3A_68 = vector.broadcast %eq3A_67 : i32 to vector<16xi32>
    %eq3A_69 = arith.cmpi eq, %get3A_66, %eq3A_68 : vector<16xi32>
    %jit3A_70 = arith.constant 1 : i32
    %jit3A_71 = arith.constant 0 : i32
    %broadcast_in_dim3A_72 = vector.broadcast %jit3A_70 : i32 to vector<16xi32>
    %broadcast_in_dim3A_73 = vector.broadcast %jit3A_71 : i32 to vector<16xi32>
    %select_n3A_74 = arith.select %eq3A_69, %broadcast_in_dim3A_72, %broadcast_in_dim3A_73 : vector<16xi1>, vector<16xi32>
    %swap3A_75 = arith.constant 48 : index
    %swap3A_76 = tpu.vector_load %arg16[%swap3A_75] {strides = array<i32>} : memref<64xi32, #tpu.memory_space<vmem>>, vector<16xi32>,
    %swap3A_77 = vector.shape_cast %swap3A_76 : vector<16xi32> to vector<16xi32>
    %swap3A_78 = vector.shape_cast %select_n3A_74 : vector<16xi32> to vector<16xi32>
    tpu.vector_store %arg16[%swap3A_75], %swap3A_78 {strides = array<i32>} : memref<64xi32, #tpu.memory_space<vmem>>, vector<16xi32>,
    "tpu.region"() ({
      %run_scoped3A = tpu.sem_alloc : memref<!tpu.dma_semaphore, #tpu.memory_space<semaphore_mem>>
      %dma_start3A_186 = tpu.memref_slice %arg9[%mul3A_2] : memref<2048xi32, #tpu.memory_space<hbm>> -> memref<64xi32, #tpu.memory_space<hbm>>
      %dma_start3A_187 = tpu.memref_slice %arg9[%mul3A_2] : memref<2048xi32, #tpu.memory_space<hbm>> -> memref<64xi32, #tpu.memory_space<hbm>>
      tpu.enqueue_dma source(%arg16 : memref<64xi32, #tpu.memory_space<vmem>>) target(%dma_start3A_187 : memref<64xi32, #tpu.memory_space<hbm>>) target_semaphore(%run_scoped3A : memref<!tpu.dma_semaphore, #tpu.memory_space<semaphore_mem>>)
      %dma_wait3A_188 = tpu.memref_slice %arg9[%mul3A_2] : memref<2048xi32, #tpu.memory_space<hbm>> -> memref<64xi32, #tpu.memory_space<hbm>>
      %dma_wait3A_189 = tpu.memref_slice %arg9[%mul3A_2] : memref<2048xi32, #tpu.memory_space<hbm>> -> memref<64xi32, #tpu.memory_space<hbm>>
      tpu.wait_dma2 semaphore(%run_scoped3A : memref<!tpu.dma_semaphore, #tpu.memory_space<semaphore_mem>>) src(%arg16 : memref<64xi32, #tpu.memory_space<vmem>>) dst(%dma_wait3A_189 : memref<64xi32, #tpu.memory_space<hbm>>)
      tpu.yield
    }) : () -> ()
    %get3A_79 = arith.constant 0 : i32
    %get3A_80 = arith.index_cast %get3A_79 : i32 to index
    %get3A_81 = arith.constant 0 : index
    %get3A_82 = tpu.vector_load %arg13[%get3A_80, %get3A_81] {strides = array<i32>} : memref<1x128xf32, #tpu.memory_space<vmem>>, vector<1x16xf32>,
    %get3A_83 = vector.shape_cast %get3A_82 : vector<1x16xf32> to vector<16xf32>
    %get3A_84 = arith.constant 0 : i32
    %get3A_85 = arith.index_cast %get3A_84 : i32 to index
    %get3A_86 = arith.constant 16 : index
    %get3A_87 = tpu.vector_load %arg13[%get3A_85, %get3A_86] {strides = array<i32>} : memref<1x128xf32, #tpu.memory_space<vmem>>, vector<1x16xf32>,
    %get3A_88 = vector.shape_cast %get3A_87 : vector<1x16xf32> to vector<16xf32>
    %get3A_89 = arith.constant 0 : i32
    %get3A_90 = arith.index_cast %get3A_89 : i32 to index
    %get3A_91 = arith.constant 32 : index
    %get3A_92 = tpu.vector_load %arg13[%get3A_90, %get3A_91] {strides = array<i32>} : memref<1x128xf32, #tpu.memory_space<vmem>>, vector<1x16xf32>,
    %get3A_93 = vector.shape_cast %get3A_92 : vector<1x16xf32> to vector<16xf32>
    %get3A_94 = arith.constant 0 : i32
    %get3A_95 = arith.index_cast %get3A_94 : i32 to index
    %get3A_96 = arith.constant 48 : index
    %get3A_97 = tpu.vector_load %arg13[%get3A_95, %get3A_96] {strides = array<i32>} : memref<1x128xf32, #tpu.memory_space<vmem>>, vector<1x16xf32>,
    %get3A_98 = vector.shape_cast %get3A_97 : vector<1x16xf32> to vector<16xf32>
    %get3A_99 = arith.constant 0 : i32
    %get3A_100 = arith.index_cast %get3A_99 : i32 to index
    %get3A_101 = arith.constant 64 : index
    %get3A_102 = tpu.vector_load %arg13[%get3A_100, %get3A_101] {strides = array<i32>} : memref<1x128xf32, #tpu.memory_space<vmem>>, vector<1x16xf32>,
    %get3A_103 = vector.shape_cast %get3A_102 : vector<1x16xf32> to vector<16xf32>
    %get3A_104 = arith.constant 0 : i32
    %get3A_105 = arith.index_cast %get3A_104 : i32 to index
    %get3A_106 = arith.constant 80 : index
    %get3A_107 = tpu.vector_load %arg13[%get3A_105, %get3A_106] {strides = array<i32>} : memref<1x128xf32, #tpu.memory_space<vmem>>, vector<1x16xf32>,
    %get3A_108 = vector.shape_cast %get3A_107 : vector<1x16xf32> to vector<16xf32>
    %get3A_109 = arith.constant 0 : i32
    %get3A_110 = arith.index_cast %get3A_109 : i32 to index
    %get3A_111 = arith.constant 96 : index
    %get3A_112 = tpu.vector_load %arg13[%get3A_110, %get3A_111] {strides = array<i32>} : memref<1x128xf32, #tpu.memory_space<vmem>>, vector<1x16xf32>,
    %get3A_113 = vector.shape_cast %get3A_112 : vector<1x16xf32> to vector<16xf32>
    %get3A_114 = arith.constant 0 : i32
    %get3A_115 = arith.index_cast %get3A_114 : i32 to index
    %get3A_116 = arith.constant 112 : index
    %get3A_117 = tpu.vector_load %arg13[%get3A_115, %get3A_116] {strides = array<i32>} : memref<1x128xf32, #tpu.memory_space<vmem>>, vector<1x16xf32>,
    %get3A_118 = vector.shape_cast %get3A_117 : vector<1x16xf32> to vector<16xf32>
    %get3A_119 = arith.constant 0 : index
    %get3A_120 = tpu.vector_load %arg14[%get3A_119] {strides = array<i32>} : memref<128xf32, #tpu.memory_space<vmem>>, vector<16xf32>,
    %get3A_121 = vector.shape_cast %get3A_120 : vector<16xf32> to vector<16xf32>
    %get3A_122 = arith.constant 16 : index
    %get3A_123 = tpu.vector_load %arg14[%get3A_122] {strides = array<i32>} : memref<128xf32, #tpu.memory_space<vmem>>, vector<16xf32>,
    %get3A_124 = vector.shape_cast %get3A_123 : vector<16xf32> to vector<16xf32>
    %get3A_125 = arith.constant 32 : index
    %get3A_126 = tpu.vector_load %arg14[%get3A_125] {strides = array<i32>} : memref<128xf32, #tpu.memory_space<vmem>>, vector<16xf32>,
    %get3A_127 = vector.shape_cast %get3A_126 : vector<16xf32> to vector<16xf32>
    %get3A_128 = arith.constant 48 : index
    %get3A_129 = tpu.vector_load %arg14[%get3A_128] {strides = array<i32>} : memref<128xf32, #tpu.memory_space<vmem>>, vector<16xf32>,
    %get3A_130 = vector.shape_cast %get3A_129 : vector<16xf32> to vector<16xf32>
    %get3A_131 = arith.constant 64 : index
    %get3A_132 = tpu.vector_load %arg14[%get3A_131] {strides = array<i32>} : memref<128xf32, #tpu.memory_space<vmem>>, vector<16xf32>,
    %get3A_133 = vector.shape_cast %get3A_132 : vector<16xf32> to vector<16xf32>
    %get3A_134 = arith.constant 80 : index
    %get3A_135 = tpu.vector_load %arg14[%get3A_134] {strides = array<i32>} : memref<128xf32, #tpu.memory_space<vmem>>, vector<16xf32>,
    %get3A_136 = vector.shape_cast %get3A_135 : vector<16xf32> to vector<16xf32>
    %get3A_137 = arith.constant 96 : index
    %get3A_138 = tpu.vector_load %arg14[%get3A_137] {strides = array<i32>} : memref<128xf32, #tpu.memory_space<vmem>>, vector<16xf32>,
    %get3A_139 = vector.shape_cast %get3A_138 : vector<16xf32> to vector<16xf32>
    %get3A_140 = arith.constant 112 : index
    %get3A_141 = tpu.vector_load %arg14[%get3A_140] {strides = array<i32>} : memref<128xf32, #tpu.memory_space<vmem>>, vector<16xf32>,
    %get3A_142 = vector.shape_cast %get3A_141 : vector<16xf32> to vector<16xf32>
    %get3A_143 = arith.constant 0 : index
    %get3A_144 = tpu.vector_load %arg15[%get3A_143] {strides = array<i32>} : memref<128xf32, #tpu.memory_space<vmem>>, vector<16xf32>,
    %get3A_145 = vector.shape_cast %get3A_144 : vector<16xf32> to vector<16xf32>
    %get3A_146 = arith.constant 16 : index
    %get3A_147 = tpu.vector_load %arg15[%get3A_146] {strides = array<i32>} : memref<128xf32, #tpu.memory_space<vmem>>, vector<16xf32>,
    %get3A_148 = vector.shape_cast %get3A_147 : vector<16xf32> to vector<16xf32>
    %get3A_149 = arith.constant 32 : index
    %get3A_150 = tpu.vector_load %arg15[%get3A_149] {strides = array<i32>} : memref<128xf32, #tpu.memory_space<vmem>>, vector<16xf32>,
    %get3A_151 = vector.shape_cast %get3A_150 : vector<16xf32> to vector<16xf32>
    %get3A_152 = arith.constant 48 : index
    %get3A_153 = tpu.vector_load %arg15[%get3A_152] {strides = array<i32>} : memref<128xf32, #tpu.memory_space<vmem>>, vector<16xf32>,
    %get3A_154 = vector.shape_cast %get3A_153 : vector<16xf32> to vector<16xf32>
    %get3A_155 = arith.constant 64 : index
    %get3A_156 = tpu.vector_load %arg15[%get3A_155] {strides = array<i32>} : memref<128xf32, #tpu.memory_space<vmem>>, vector<16xf32>,
    %get3A_157 = vector.shape_cast %get3A_156 : vector<16xf32> to vector<16xf32>
    %get3A_158 = arith.constant 80 : index
    %get3A_159 = tpu.vector_load %arg15[%get3A_158] {strides = array<i32>} : memref<128xf32, #tpu.memory_space<vmem>>, vector<16xf32>,
    %get3A_160 = vector.shape_cast %get3A_159 : vector<16xf32> to vector<16xf32>
    %get3A_161 = arith.constant 96 : index
    %get3A_162 = tpu.vector_load %arg15[%get3A_161] {strides = array<i32>} : memref<128xf32, #tpu.memory_space<vmem>>, vector<16xf32>,
    %get3A_163 = vector.shape_cast %get3A_162 : vector<16xf32> to vector<16xf32>
    %get3A_164 = arith.constant 112 : index
    %get3A_165 = tpu.vector_load %arg15[%get3A_164] {strides = array<i32>} : memref<128xf32, #tpu.memory_space<vmem>>, vector<16xf32>,
    %get3A_166 = vector.shape_cast %get3A_165 : vector<16xf32> to vector<16xf32>
    %dma_wait3A = arith.constant 0 : i32
    %dma_wait3A_167 = arith.constant 0 : i32
    %dma_wait3A_168 = tpu.memref_slice %arg3[%dma_wait3A, %dma_wait3A_167] : memref<1000000x128xf32, #tpu.memory_space<hbm>> -> memref<1000000x128xf32, #tpu.memory_space<hbm>>
    tpu.wait_indirect_dma semaphore(%arg17 : memref<!tpu.dma_semaphore, #tpu.memory_space<semaphore_mem>>) src(%dma_wait3A_168 : memref<1000000x128xf32, #tpu.memory_space<hbm>>) dst(%arg11 : memref<64x128xf32, #tpu.memory_space<vmem>>)
    %iota3A = tpu.iota {dimensions = array<i32: 0>} : vector<16xi32>
    %xor3A = arith.constant 8 : i32
    %xor3A_169 = vector.broadcast %xor3A : i32 to vector<16xi32>
    %xor3A_170 = arith.xori %iota3A, %xor3A_169 : vector<16xi32>
    %xor3A_171 = arith.constant 4 : i32
    %xor3A_172 = vector.broadcast %xor3A_171 : i32 to vector<16xi32>
    %xor3A_173 = arith.xori %iota3A, %xor3A_172 : vector<16xi32>
    %xor3A_174 = arith.constant 2 : i32
    %xor3A_175 = vector.broadcast %xor3A_174 : i32 to vector<16xi32>
    %xor3A_176 = arith.xori %iota3A, %xor3A_175 : vector<16xi32>
    %xor3A_177 = arith.constant 1 : i32
    %xor3A_178 = vector.broadcast %xor3A_177 : i32 to vector<16xi32>
    %xor3A_179 = arith.xori %iota3A, %xor3A_178 : vector<16xi32>
    %scan3A = arith.constant 0 : i32
    %scan3A_180 = arith.constant 7.812500e-03 : f32
    %scan3A_181 = arith.constant 0 : i32
    %scan3A_182 = arith.constant 64 : i32
    %scan3A_183 = arith.addi %scan3A_181, %scan3A_182 : i32
    %scan3A_184 = arith.constant 4 : i32
    scf.for %scan3A_186 = %scan3A_181 to %scan3A_183 step %scan3A_184  : i32 {
      %get3A_187 = arith.index_cast %scan3A_186 : i32 to index
      %get3A_188 = arith.constant 0 : index
      %get3A_189 = tpu.vector_load %arg11[%get3A_187, %get3A_188] {strides = array<i32>} : memref<64x128xf32, #tpu.memory_space<vmem>>, vector<1x16xf32>,
      %get3A_190 = vector.shape_cast %get3A_189 : vector<1x16xf32> to vector<16xf32>
      %get3A_191 = arith.index_cast %scan3A_186 : i32 to index
      %get3A_192 = arith.constant 0 : index
      %get3A_193 = tpu.vector_load %arg12[%get3A_191, %get3A_192] {strides = array<i32>} : memref<64x128xf32, #tpu.memory_space<vmem>>, vector<1x16xf32>,
      %get3A_194 = vector.shape_cast %get3A_193 : vector<1x16xf32> to vector<16xf32>
      %add3A_195 = arith.addf %get3A_190, %get3A_194 : vector<16xf32>
      %add3A_196 = arith.addf %add3A_195, %get3A_83 : vector<16xf32>
      %get3A_197 = arith.index_cast %scan3A_186 : i32 to index
      %get3A_198 = arith.constant 16 : index
      %get3A_199 = tpu.vector_load %arg11[%get3A_197, %get3A_198] {strides = array<i32>} : memref<64x128xf32, #tpu.memory_space<vmem>>, vector<1x16xf32>,
      %get3A_200 = vector.shape_cast %get3A_199 : vector<1x16xf32> to vector<16xf32>
      %get3A_201 = arith.index_cast %scan3A_186 : i32 to index
      %get3A_202 = arith.constant 16 : index
      %get3A_203 = tpu.vector_load %arg12[%get3A_201, %get3A_202] {strides = array<i32>} : memref<64x128xf32, #tpu.memory_space<vmem>>, vector<1x16xf32>,
      %get3A_204 = vector.shape_cast %get3A_203 : vector<1x16xf32> to vector<16xf32>
      %add3A_205 = arith.addf %get3A_200, %get3A_204 : vector<16xf32>
      %add3A_206 = arith.addf %add3A_205, %get3A_88 : vector<16xf32>
      %get3A_207 = arith.index_cast %scan3A_186 : i32 to index
      %get3A_208 = arith.constant 32 : index
      %get3A_209 = tpu.vector_load %arg11[%get3A_207, %get3A_208] {strides = array<i32>} : memref<64x128xf32, #tpu.memory_space<vmem>>, vector<1x16xf32>,
      %get3A_210 = vector.shape_cast %get3A_209 : vector<1x16xf32> to vector<16xf32>
      %get3A_211 = arith.index_cast %scan3A_186 : i32 to index
      %get3A_212 = arith.constant 32 : index
      %get3A_213 = tpu.vector_load %arg12[%get3A_211, %get3A_212] {strides = array<i32>} : memref<64x128xf32, #tpu.memory_space<vmem>>, vector<1x16xf32>,
      %get3A_214 = vector.shape_cast %get3A_213 : vector<1x16xf32> to vector<16xf32>
      %add3A_215 = arith.addf %get3A_210, %get3A_214 : vector<16xf32>
      %add3A_216 = arith.addf %add3A_215, %get3A_93 : vector<16xf32>
      %get3A_217 = arith.index_cast %scan3A_186 : i32 to index
      %get3A_218 = arith.constant 48 : index
      %get3A_219 = tpu.vector_load %arg11[%get3A_217, %get3A_218] {strides = array<i32>} : memref<64x128xf32, #tpu.memory_space<vmem>>, vector<1x16xf32>,
      %get3A_220 = vector.shape_cast %get3A_219 : vector<1x16xf32> to vector<16xf32>
      %get3A_221 = arith.index_cast %scan3A_186 : i32 to index
      %get3A_222 = arith.constant 48 : index
      %get3A_223 = tpu.vector_load %arg12[%get3A_221, %get3A_222] {strides = array<i32>} : memref<64x128xf32, #tpu.memory_space<vmem>>, vector<1x16xf32>,
      %get3A_224 = vector.shape_cast %get3A_223 : vector<1x16xf32> to vector<16xf32>
      %add3A_225 = arith.addf %get3A_220, %get3A_224 : vector<16xf32>
      %add3A_226 = arith.addf %add3A_225, %get3A_98 : vector<16xf32>
      %get3A_227 = arith.index_cast %scan3A_186 : i32 to index
      %get3A_228 = arith.constant 64 : index
      %get3A_229 = tpu.vector_load %arg11[%get3A_227, %get3A_228] {strides = array<i32>} : memref<64x128xf32, #tpu.memory_space<vmem>>, vector<1x16xf32>,
      %get3A_230 = vector.shape_cast %get3A_229 : vector<1x16xf32> to vector<16xf32>
      %get3A_231 = arith.index_cast %scan3A_186 : i32 to index
      %get3A_232 = arith.constant 64 : index
      %get3A_233 = tpu.vector_load %arg12[%get3A_231, %get3A_232] {strides = array<i32>} : memref<64x128xf32, #tpu.memory_space<vmem>>, vector<1x16xf32>,
      %get3A_234 = vector.shape_cast %get3A_233 : vector<1x16xf32> to vector<16xf32>
      %add3A_235 = arith.addf %get3A_230, %get3A_234 : vector<16xf32>
      %add3A_236 = arith.addf %add3A_235, %get3A_103 : vector<16xf32>
      %get3A_237 = arith.index_cast %scan3A_186 : i32 to index
      %get3A_238 = arith.constant 80 : index
      %get3A_239 = tpu.vector_load %arg11[%get3A_237, %get3A_238] {strides = array<i32>} : memref<64x128xf32, #tpu.memory_space<vmem>>, vector<1x16xf32>,
      %get3A_240 = vector.shape_cast %get3A_239 : vector<1x16xf32> to vector<16xf32>
      %get3A_241 = arith.index_cast %scan3A_186 : i32 to index
      %get3A_242 = arith.constant 80 : index
      %get3A_243 = tpu.vector_load %arg12[%get3A_241, %get3A_242] {strides = array<i32>} : memref<64x128xf32, #tpu.memory_space<vmem>>, vector<1x16xf32>,
      %get3A_244 = vector.shape_cast %get3A_243 : vector<1x16xf32> to vector<16xf32>
      %add3A_245 = arith.addf %get3A_240, %get3A_244 : vector<16xf32>
      %add3A_246 = arith.addf %add3A_245, %get3A_108 : vector<16xf32>
      %get3A_247 = arith.index_cast %scan3A_186 : i32 to index
      %get3A_248 = arith.constant 96 : index
      %get3A_249 = tpu.vector_load %arg11[%get3A_247, %get3A_248] {strides = array<i32>} : memref<64x128xf32, #tpu.memory_space<vmem>>, vector<1x16xf32>,
      %get3A_250 = vector.shape_cast %get3A_249 : vector<1x16xf32> to vector<16xf32>
      %get3A_251 = arith.index_cast %scan3A_186 : i32 to index
      %get3A_252 = arith.constant 96 : index
      %get3A_253 = tpu.vector_load %arg12[%get3A_251, %get3A_252] {strides = array<i32>} : memref<64x128xf32, #tpu.memory_space<vmem>>, vector<1x16xf32>,
      %get3A_254 = vector.shape_cast %get3A_253 : vector<1x16xf32> to vector<16xf32>
      %add3A_255 = arith.addf %get3A_250, %get3A_254 : vector<16xf32>
      %add3A_256 = arith.addf %add3A_255, %get3A_113 : vector<16xf32>
      %get3A_257 = arith.index_cast %scan3A_186 : i32 to index
      %get3A_258 = arith.constant 112 : index
      %get3A_259 = tpu.vector_load %arg11[%get3A_257, %get3A_258] {strides = array<i32>} : memref<64x128xf32, #tpu.memory_space<vmem>>, vector<1x16xf32>,
      %get3A_260 = vector.shape_cast %get3A_259 : vector<1x16xf32> to vector<16xf32>
      %get3A_261 = arith.index_cast %scan3A_186 : i32 to index
      %get3A_262 = arith.constant 112 : index
      %get3A_263 = tpu.vector_load %arg12[%get3A_261, %get3A_262] {strides = array<i32>} : memref<64x128xf32, #tpu.memory_space<vmem>>, vector<1x16xf32>,
      %get3A_264 = vector.shape_cast %get3A_263 : vector<1x16xf32> to vector<16xf32>
      %add3A_265 = arith.addf %get3A_260, %get3A_264 : vector<16xf32>
      %add3A_266 = arith.addf %add3A_265, %get3A_118 : vector<16xf32>
      %mul3A_267 = arith.mulf %add3A_196, %add3A_196 : vector<16xf32>
      %mul3A_268 = arith.mulf %add3A_206, %add3A_206 : vector<16xf32>
      %mul3A_269 = arith.mulf %add3A_216, %add3A_216 : vector<16xf32>
      %mul3A_270 = arith.mulf %add3A_226, %add3A_226 : vector<16xf32>
      %mul3A_271 = arith.mulf %add3A_236, %add3A_236 : vector<16xf32>
      %mul3A_272 = arith.mulf %add3A_246, %add3A_246 : vector<16xf32>
      %mul3A_273 = arith.mulf %add3A_256, %add3A_256 : vector<16xf32>
      %mul3A_274 = arith.mulf %add3A_266, %add3A_266 : vector<16xf32>
      %add3A_275 = arith.addf %add3A_196, %add3A_206 : vector<16xf32>
      %add3A_276 = arith.addf %add3A_216, %add3A_226 : vector<16xf32>
      %add3A_277 = arith.addf %add3A_275, %add3A_276 : vector<16xf32>
      %add3A_278 = arith.addf %add3A_236, %add3A_246 : vector<16xf32>
      %add3A_279 = arith.addf %add3A_256, %add3A_266 : vector<16xf32>
      %add3A_280 = arith.addf %add3A_278, %add3A_279 : vector<16xf32>
      %add3A_281 = arith.addf %mul3A_267, %mul3A_268 : vector<16xf32>
      %add3A_282 = arith.addf %mul3A_269, %mul3A_270 : vector<16xf32>
      %add3A_283 = arith.addf %add3A_281, %add3A_282 : vector<16xf32>
      %add3A_284 = arith.addf %mul3A_271, %mul3A_272 : vector<16xf32>
      %add3A_285 = arith.addf %mul3A_273, %mul3A_274 : vector<16xf32>
      %add3A_286 = arith.addf %add3A_284, %add3A_285 : vector<16xf32>
      %add3A_287 = arith.addf %add3A_277, %add3A_280 : vector<16xf32>
      %lt3A = arith.constant 0 : i32
      %lt3A_288 = vector.broadcast %lt3A : i32 to vector<16xi32>
      %lt3A_289 = arith.cmpi slt, %xor3A_170, %lt3A_288 : vector<16xi32>
      %add3A_290 = arith.constant 16 : i32
      %add3A_291 = vector.broadcast %add3A_290 : i32 to vector<16xi32>
      %add3A_292 = arith.addi %xor3A_170, %add3A_291 : vector<16xi32>
      %select_n3A_293 = arith.select %lt3A_289, %add3A_292, %xor3A_170 : vector<16xi1>, vector<16xi32>
      %broadcast_in_dim3A_294 = vector.shape_cast %select_n3A_293 : vector<16xi32> to vector<16x1xi32>
      %gather3A = vector.shape_cast %broadcast_in_dim3A_294 : vector<16x1xi32> to vector<16xi32>
      %gather3A_295 = tpu.dynamic_gather %add3A_287[%gather3A] in [0] : vector<16xf32>, vector<16xi32> -> vector<16xf32>
      %add3A_296 = arith.addf %add3A_287, %gather3A_295 : vector<16xf32>
      %lt3A_297 = arith.constant 0 : i32
      %lt3A_298 = vector.broadcast %lt3A_297 : i32 to vector<16xi32>
      %lt3A_299 = arith.cmpi slt, %xor3A_173, %lt3A_298 : vector<16xi32>
      %add3A_300 = arith.constant 16 : i32
      %add3A_301 = vector.broadcast %add3A_300 : i32 to vector<16xi32>
      %add3A_302 = arith.addi %xor3A_173, %add3A_301 : vector<16xi32>
      %select_n3A_303 = arith.select %lt3A_299, %add3A_302, %xor3A_173 : vector<16xi1>, vector<16xi32>
      %broadcast_in_dim3A_304 = vector.shape_cast %select_n3A_303 : vector<16xi32> to vector<16x1xi32>
      %gather3A_305 = vector.shape_cast %broadcast_in_dim3A_304 : vector<16x1xi32> to vector<16xi32>
      %gather3A_306 = tpu.dynamic_gather %add3A_296[%gather3A_305] in [0] : vector<16xf32>, vector<16xi32> -> vector<16xf32>
      %add3A_307 = arith.addf %add3A_296, %gather3A_306 : vector<16xf32>
      %lt3A_308 = arith.constant 0 : i32
      %lt3A_309 = vector.broadcast %lt3A_308 : i32 to vector<16xi32>
      %lt3A_310 = arith.cmpi slt, %xor3A_176, %lt3A_309 : vector<16xi32>
      %add3A_311 = arith.constant 16 : i32
      %add3A_312 = vector.broadcast %add3A_311 : i32 to vector<16xi32>
      %add3A_313 = arith.addi %xor3A_176, %add3A_312 : vector<16xi32>
      %select_n3A_314 = arith.select %lt3A_310, %add3A_313, %xor3A_176 : vector<16xi1>, vector<16xi32>
      %broadcast_in_dim3A_315 = vector.shape_cast %select_n3A_314 : vector<16xi32> to vector<16x1xi32>
      %gather3A_316 = vector.shape_cast %broadcast_in_dim3A_315 : vector<16x1xi32> to vector<16xi32>
      %gather3A_317 = tpu.dynamic_gather %add3A_307[%gather3A_316] in [0] : vector<16xf32>, vector<16xi32> -> vector<16xf32>
      %add3A_318 = arith.addf %add3A_307, %gather3A_317 : vector<16xf32>
      %lt3A_319 = arith.constant 0 : i32
      %lt3A_320 = vector.broadcast %lt3A_319 : i32 to vector<16xi32>
      %lt3A_321 = arith.cmpi slt, %xor3A_179, %lt3A_320 : vector<16xi32>
      %add3A_322 = arith.constant 16 : i32
      %add3A_323 = vector.broadcast %add3A_322 : i32 to vector<16xi32>
      %add3A_324 = arith.addi %xor3A_179, %add3A_323 : vector<16xi32>
      %select_n3A_325 = arith.select %lt3A_321, %add3A_324, %xor3A_179 : vector<16xi1>, vector<16xi32>
      %broadcast_in_dim3A_326 = vector.shape_cast %select_n3A_325 : vector<16xi32> to vector<16x1xi32>
      %gather3A_327 = vector.shape_cast %broadcast_in_dim3A_326 : vector<16x1xi32> to vector<16xi32>
      %gather3A_328 = tpu.dynamic_gather %add3A_318[%gather3A_327] in [0] : vector<16xf32>, vector<16xi32> -> vector<16xf32>
      %add3A_329 = arith.addf %add3A_318, %gather3A_328 : vector<16xf32>
      %mul3A_330 = vector.broadcast %scan3A_180 : f32 to vector<16xf32>
      %mul3A_331 = arith.mulf %add3A_329, %mul3A_330 : vector<16xf32>
      %add3A_332 = arith.addf %add3A_283, %add3A_286 : vector<16xf32>
      %lt3A_333 = arith.constant 0 : i32
      %lt3A_334 = vector.broadcast %lt3A_333 : i32 to vector<16xi32>
      %lt3A_335 = arith.cmpi slt, %xor3A_170, %lt3A_334 : vector<16xi32>
      %add3A_336 = arith.constant 16 : i32
      %add3A_337 = vector.broadcast %add3A_336 : i32 to vector<16xi32>
      %add3A_338 = arith.addi %xor3A_170, %add3A_337 : vector<16xi32>
      %select_n3A_339 = arith.select %lt3A_335, %add3A_338, %xor3A_170 : vector<16xi1>, vector<16xi32>
      %broadcast_in_dim3A_340 = vector.shape_cast %select_n3A_339 : vector<16xi32> to vector<16x1xi32>
      %gather3A_341 = vector.shape_cast %broadcast_in_dim3A_340 : vector<16x1xi32> to vector<16xi32>
      %gather3A_342 = tpu.dynamic_gather %add3A_332[%gather3A_341] in [0] : vector<16xf32>, vector<16xi32> -> vector<16xf32>
      %add3A_343 = arith.addf %add3A_332, %gather3A_342 : vector<16xf32>
      %lt3A_344 = arith.constant 0 : i32
      %lt3A_345 = vector.broadcast %lt3A_344 : i32 to vector<16xi32>
      %lt3A_346 = arith.cmpi slt, %xor3A_173, %lt3A_345 : vector<16xi32>
      %add3A_347 = arith.constant 16 : i32
      %add3A_348 = vector.broadcast %add3A_347 : i32 to vector<16xi32>
      %add3A_349 = arith.addi %xor3A_173, %add3A_348 : vector<16xi32>
      %select_n3A_350 = arith.select %lt3A_346, %add3A_349, %xor3A_173 : vector<16xi1>, vector<16xi32>
      %broadcast_in_dim3A_351 = vector.shape_cast %select_n3A_350 : vector<16xi32> to vector<16x1xi32>
      %gather3A_352 = vector.shape_cast %broadcast_in_dim3A_351 : vector<16x1xi32> to vector<16xi32>
      %gather3A_353 = tpu.dynamic_gather %add3A_343[%gather3A_352] in [0] : vector<16xf32>, vector<16xi32> -> vector<16xf32>
      %add3A_354 = arith.addf %add3A_343, %gather3A_353 : vector<16xf32>
      %lt3A_355 = arith.constant 0 : i32
      %lt3A_356 = vector.broadcast %lt3A_355 : i32 to vector<16xi32>
      %lt3A_357 = arith.cmpi slt, %xor3A_176, %lt3A_356 : vector<16xi32>
      %add3A_358 = arith.constant 16 : i32
      %add3A_359 = vector.broadcast %add3A_358 : i32 to vector<16xi32>
      %add3A_360 = arith.addi %xor3A_176, %add3A_359 : vector<16xi32>
      %select_n3A_361 = arith.select %lt3A_357, %add3A_360, %xor3A_176 : vector<16xi1>, vector<16xi32>
      %broadcast_in_dim3A_362 = vector.shape_cast %select_n3A_361 : vector<16xi32> to vector<16x1xi32>
      %gather3A_363 = vector.shape_cast %broadcast_in_dim3A_362 : vector<16x1xi32> to vector<16xi32>
      %gather3A_364 = tpu.dynamic_gather %add3A_354[%gather3A_363] in [0] : vector<16xf32>, vector<16xi32> -> vector<16xf32>
      %add3A_365 = arith.addf %add3A_354, %gather3A_364 : vector<16xf32>
      %lt3A_366 = arith.constant 0 : i32
      %lt3A_367 = vector.broadcast %lt3A_366 : i32 to vector<16xi32>
      %lt3A_368 = arith.cmpi slt, %xor3A_179, %lt3A_367 : vector<16xi32>
      %add3A_369 = arith.constant 16 : i32
      %add3A_370 = vector.broadcast %add3A_369 : i32 to vector<16xi32>
      %add3A_371 = arith.addi %xor3A_179, %add3A_370 : vector<16xi32>
      %select_n3A_372 = arith.select %lt3A_368, %add3A_371, %xor3A_179 : vector<16xi1>, vector<16xi32>
      %broadcast_in_dim3A_373 = vector.shape_cast %select_n3A_372 : vector<16xi32> to vector<16x1xi32>
      %gather3A_374 = vector.shape_cast %broadcast_in_dim3A_373 : vector<16x1xi32> to vector<16xi32>
      %gather3A_375 = tpu.dynamic_gather %add3A_365[%gather3A_374] in [0] : vector<16xf32>, vector<16xi32> -> vector<16xf32>
      %add3A_376 = arith.addf %add3A_365, %gather3A_375 : vector<16xf32>
      %mul3A_377 = vector.broadcast %scan3A_180 : f32 to vector<16xf32>
      %mul3A_378 = arith.mulf %add3A_376, %mul3A_377 : vector<16xf32>
      %mul3A_379 = arith.mulf %mul3A_331, %mul3A_331 : vector<16xf32>
      %sub3A_380 = arith.subf %mul3A_378, %mul3A_379 : vector<16xf32>
      %add3A_381 = arith.constant 9.99999974E-6 : f32
      %add3A_382 = vector.broadcast %add3A_381 : f32 to vector<16xf32>
      %add3A_383 = arith.addf %sub3A_380, %add3A_382 : vector<16xf32>
      %bitcast_convert_type3A = tpu.bitcast %add3A_383 : vector<16xf32> -> vector<16xi32>
      %shift_right_logical3A = arith.constant 1 : i32
      %shift_right_logical3A_384 = vector.broadcast %shift_right_logical3A : i32 to vector<16xi32>
      %shift_right_logical3A_385 = arith.shrui %bitcast_convert_type3A, %shift_right_logical3A_384 : vector<16xi32>
      %sub3A_386 = arith.constant 1597463007 : i32
      %sub3A_387 = vector.broadcast %sub3A_386 : i32 to vector<16xi32>
      %sub3A_388 = arith.subi %sub3A_387, %shift_right_logical3A_385 : vector<16xi32>
      %bitcast_convert_type3A_389 = tpu.bitcast %sub3A_388 : vector<16xi32> -> vector<16xf32>
      %mul3A_390 = arith.constant 5.000000e-01 : f32
      %mul3A_391 = vector.broadcast %mul3A_390 : f32 to vector<16xf32>
      %mul3A_392 = arith.mulf %add3A_383, %mul3A_391 : vector<16xf32>
      %mul3A_393 = arith.mulf %mul3A_392, %bitcast_convert_type3A_389 : vector<16xf32>
      %mul3A_394 = arith.mulf %mul3A_393, %bitcast_convert_type3A_389 : vector<16xf32>
      %sub3A_395 = arith.constant 1.500000e+00 : f32
      %sub3A_396 = vector.broadcast %sub3A_395 : f32 to vector<16xf32>
      %sub3A_397 = arith.subf %sub3A_396, %mul3A_394 : vector<16xf32>
      %mul3A_398 = arith.mulf %bitcast_convert_type3A_389, %sub3A_397 : vector<16xf32>
      %mul3A_399 = arith.mulf %mul3A_392, %mul3A_398 : vector<16xf32>
      %mul3A_400 = arith.mulf %mul3A_399, %mul3A_398 : vector<16xf32>
      %sub3A_401 = arith.constant 1.500000e+00 : f32
      %sub3A_402 = vector.broadcast %sub3A_401 : f32 to vector<16xf32>
      %sub3A_403 = arith.subf %sub3A_402, %mul3A_400 : vector<16xf32>
      %mul3A_404 = arith.mulf %mul3A_398, %sub3A_403 : vector<16xf32>
      %mul3A_405 = arith.mulf %mul3A_392, %mul3A_404 : vector<16xf32>
      %mul3A_406 = arith.mulf %mul3A_405, %mul3A_404 : vector<16xf32>
      %sub3A_407 = arith.constant 1.500000e+00 : f32
      %sub3A_408 = vector.broadcast %sub3A_407 : f32 to vector<16xf32>
      %sub3A_409 = arith.subf %sub3A_408, %mul3A_406 : vector<16xf32>
      %mul3A_410 = arith.mulf %mul3A_404, %sub3A_409 : vector<16xf32>
      %mul3A_411 = arith.mulf %mul3A_331, %mul3A_410 : vector<16xf32>
      %neg3A = arith.constant 0.000000e+00 : f32
      %neg3A_412 = vector.broadcast %neg3A : f32 to vector<16xf32>
      %neg3A_413 = arith.subf %neg3A_412, %mul3A_411 : vector<16xf32>
      %mul3A_414 = arith.mulf %mul3A_410, %get3A_121 : vector<16xf32>
      %mul3A_415 = arith.mulf %neg3A_413, %get3A_121 : vector<16xf32>
      %add3A_416 = arith.addf %mul3A_415, %get3A_145 : vector<16xf32>
      %mul3A_417 = arith.mulf %add3A_196, %mul3A_414 : vector<16xf32>
      %add3A_418 = arith.addf %mul3A_417, %add3A_416 : vector<16xf32>
      %swap3A_419 = arith.index_cast %scan3A_186 : i32 to index
      %swap3A_420 = arith.constant 0 : index
      %swap3A_421 = tpu.vector_load %arg11[%swap3A_419, %swap3A_420] {strides = array<i32>} : memref<64x128xf32, #tpu.memory_space<vmem>>, vector<1x16xf32>,
      %swap3A_422 = vector.shape_cast %swap3A_421 : vector<1x16xf32> to vector<16xf32>
      %swap3A_423 = vector.shape_cast %add3A_418 : vector<16xf32> to vector<1x16xf32>
      tpu.vector_store %arg11[%swap3A_419, %swap3A_420], %swap3A_423 {strides = array<i32>} : memref<64x128xf32, #tpu.memory_space<vmem>>, vector<1x16xf32>,
      %mul3A_424 = arith.mulf %mul3A_410, %get3A_124 : vector<16xf32>
      %mul3A_425 = arith.mulf %neg3A_413, %get3A_124 : vector<16xf32>
      %add3A_426 = arith.addf %mul3A_425, %get3A_148 : vector<16xf32>
      %mul3A_427 = arith.mulf %add3A_206, %mul3A_424 : vector<16xf32>
      %add3A_428 = arith.addf %mul3A_427, %add3A_426 : vector<16xf32>
      %swap3A_429 = arith.index_cast %scan3A_186 : i32 to index
      %swap3A_430 = arith.constant 16 : index
      %swap3A_431 = tpu.vector_load %arg11[%swap3A_429, %swap3A_430] {strides = array<i32>} : memref<64x128xf32, #tpu.memory_space<vmem>>, vector<1x16xf32>,
      %swap3A_432 = vector.shape_cast %swap3A_431 : vector<1x16xf32> to vector<16xf32>
      %swap3A_433 = vector.shape_cast %add3A_428 : vector<16xf32> to vector<1x16xf32>
      tpu.vector_store %arg11[%swap3A_429, %swap3A_430], %swap3A_433 {strides = array<i32>} : memref<64x128xf32, #tpu.memory_space<vmem>>, vector<1x16xf32>,
      %mul3A_434 = arith.mulf %mul3A_410, %get3A_127 : vector<16xf32>
      %mul3A_435 = arith.mulf %neg3A_413, %get3A_127 : vector<16xf32>
      %add3A_436 = arith.addf %mul3A_435, %get3A_151 : vector<16xf32>
      %mul3A_437 = arith.mulf %add3A_216, %mul3A_434 : vector<16xf32>
      %add3A_438 = arith.addf %mul3A_437, %add3A_436 : vector<16xf32>
      %swap3A_439 = arith.index_cast %scan3A_186 : i32 to index
      %swap3A_440 = arith.constant 32 : index
      %swap3A_441 = tpu.vector_load %arg11[%swap3A_439, %swap3A_440] {strides = array<i32>} : memref<64x128xf32, #tpu.memory_space<vmem>>, vector<1x16xf32>,
      %swap3A_442 = vector.shape_cast %swap3A_441 : vector<1x16xf32> to vector<16xf32>
      %swap3A_443 = vector.shape_cast %add3A_438 : vector<16xf32> to vector<1x16xf32>
      tpu.vector_store %arg11[%swap3A_439, %swap3A_440], %swap3A_443 {strides = array<i32>} : memref<64x128xf32, #tpu.memory_space<vmem>>, vector<1x16xf32>,
      %mul3A_444 = arith.mulf %mul3A_410, %get3A_130 : vector<16xf32>
      %mul3A_445 = arith.mulf %neg3A_413, %get3A_130 : vector<16xf32>
      %add3A_446 = arith.addf %mul3A_445, %get3A_154 : vector<16xf32>
      %mul3A_447 = arith.mulf %add3A_226, %mul3A_444 : vector<16xf32>
      %add3A_448 = arith.addf %mul3A_447, %add3A_446 : vector<16xf32>
      %swap3A_449 = arith.index_cast %scan3A_186 : i32 to index
      %swap3A_450 = arith.constant 48 : index
      %swap3A_451 = tpu.vector_load %arg11[%swap3A_449, %swap3A_450] {strides = array<i32>} : memref<64x128xf32, #tpu.memory_space<vmem>>, vector<1x16xf32>,
      %swap3A_452 = vector.shape_cast %swap3A_451 : vector<1x16xf32> to vector<16xf32>
      %swap3A_453 = vector.shape_cast %add3A_448 : vector<16xf32> to vector<1x16xf32>
      tpu.vector_store %arg11[%swap3A_449, %swap3A_450], %swap3A_453 {strides = array<i32>} : memref<64x128xf32, #tpu.memory_space<vmem>>, vector<1x16xf32>,
      %mul3A_454 = arith.mulf %mul3A_410, %get3A_133 : vector<16xf32>
      %mul3A_455 = arith.mulf %neg3A_413, %get3A_133 : vector<16xf32>
      %add3A_456 = arith.addf %mul3A_455, %get3A_157 : vector<16xf32>
      %mul3A_457 = arith.mulf %add3A_236, %mul3A_454 : vector<16xf32>
      %add3A_458 = arith.addf %mul3A_457, %add3A_456 : vector<16xf32>
      %swap3A_459 = arith.index_cast %scan3A_186 : i32 to index
      %swap3A_460 = arith.constant 64 : index
      %swap3A_461 = tpu.vector_load %arg11[%swap3A_459, %swap3A_460] {strides = array<i32>} : memref<64x128xf32, #tpu.memory_space<vmem>>, vector<1x16xf32>,
      %swap3A_462 = vector.shape_cast %swap3A_461 : vector<1x16xf32> to vector<16xf32>
      %swap3A_463 = vector.shape_cast %add3A_458 : vector<16xf32> to vector<1x16xf32>
      tpu.vector_store %arg11[%swap3A_459, %swap3A_460], %swap3A_463 {strides = array<i32>} : memref<64x128xf32, #tpu.memory_space<vmem>>, vector<1x16xf32>,
      %mul3A_464 = arith.mulf %mul3A_410, %get3A_136 : vector<16xf32>
      %mul3A_465 = arith.mulf %neg3A_413, %get3A_136 : vector<16xf32>
      %add3A_466 = arith.addf %mul3A_465, %get3A_160 : vector<16xf32>
      %mul3A_467 = arith.mulf %add3A_246, %mul3A_464 : vector<16xf32>
      %add3A_468 = arith.addf %mul3A_467, %add3A_466 : vector<16xf32>
      %swap3A_469 = arith.index_cast %scan3A_186 : i32 to index
      %swap3A_470 = arith.constant 80 : index
      %swap3A_471 = tpu.vector_load %arg11[%swap3A_469, %swap3A_470] {strides = array<i32>} : memref<64x128xf32, #tpu.memory_space<vmem>>, vector<1x16xf32>,
      %swap3A_472 = vector.shape_cast %swap3A_471 : vector<1x16xf32> to vector<16xf32>
      %swap3A_473 = vector.shape_cast %add3A_468 : vector<16xf32> to vector<1x16xf32>
      tpu.vector_store %arg11[%swap3A_469, %swap3A_470], %swap3A_473 {strides = array<i32>} : memref<64x128xf32, #tpu.memory_space<vmem>>, vector<1x16xf32>,
      %mul3A_474 = arith.mulf %mul3A_410, %get3A_139 : vector<16xf32>
      %mul3A_475 = arith.mulf %neg3A_413, %get3A_139 : vector<16xf32>
      %add3A_476 = arith.addf %mul3A_475, %get3A_163 : vector<16xf32>
      %mul3A_477 = arith.mulf %add3A_256, %mul3A_474 : vector<16xf32>
      %add3A_478 = arith.addf %mul3A_477, %add3A_476 : vector<16xf32>
      %swap3A_479 = arith.index_cast %scan3A_186 : i32 to index
      %swap3A_480 = arith.constant 96 : index
      %swap3A_481 = tpu.vector_load %arg11[%swap3A_479, %swap3A_480] {strides = array<i32>} : memref<64x128xf32, #tpu.memory_space<vmem>>, vector<1x16xf32>,
      %swap3A_482 = vector.shape_cast %swap3A_481 : vector<1x16xf32> to vector<16xf32>
      %swap3A_483 = vector.shape_cast %add3A_478 : vector<16xf32> to vector<1x16xf32>
      tpu.vector_store %arg11[%swap3A_479, %swap3A_480], %swap3A_483 {strides = array<i32>} : memref<64x128xf32, #tpu.memory_space<vmem>>, vector<1x16xf32>,
      %mul3A_484 = arith.mulf %mul3A_410, %get3A_142 : vector<16xf32>
      %mul3A_485 = arith.mulf %neg3A_413, %get3A_142 : vector<16xf32>
      %add3A_486 = arith.addf %mul3A_485, %get3A_166 : vector<16xf32>
      %mul3A_487 = arith.mulf %add3A_266, %mul3A_484 : vector<16xf32>
      %add3A_488 = arith.addf %mul3A_487, %add3A_486 : vector<16xf32>
      %swap3A_489 = arith.index_cast %scan3A_186 : i32 to index
      %swap3A_490 = arith.constant 112 : index
      %swap3A_491 = tpu.vector_load %arg11[%swap3A_489, %swap3A_490] {strides = array<i32>} : memref<64x128xf32, #tpu.memory_space<vmem>>, vector<1x16xf32>,
      %swap3A_492 = vector.shape_cast %swap3A_491 : vector<1x16xf32> to vector<16xf32>
      %swap3A_493 = vector.shape_cast %add3A_488 : vector<16xf32> to vector<1x16xf32>
      tpu.vector_store %arg11[%swap3A_489, %swap3A_490], %swap3A_493 {strides = array<i32>} : memref<64x128xf32, #tpu.memory_space<vmem>>, vector<1x16xf32>,
      %scan3A_494 = arith.constant 1 : i32
      %scan3A_495 = arith.addi %scan3A_186, %scan3A_494 : i32
      %get3A_496 = arith.index_cast %scan3A_495 : i32 to index
      %get3A_497 = arith.constant 0 : index
      %get3A_498 = tpu.vector_load %arg11[%get3A_496, %get3A_497] {strides = array<i32>} : memref<64x128xf32, #tpu.memory_space<vmem>>, vector<1x16xf32>,
      %get3A_499 = vector.shape_cast %get3A_498 : vector<1x16xf32> to vector<16xf32>
      %get3A_500 = arith.index_cast %scan3A_495 : i32 to index
      %get3A_501 = arith.constant 0 : index
      %get3A_502 = tpu.vector_load %arg12[%get3A_500, %get3A_501] {strides = array<i32>} : memref<64x128xf32, #tpu.memory_space<vmem>>, vector<1x16xf32>,
      %get3A_503 = vector.shape_cast %get3A_502 : vector<1x16xf32> to vector<16xf32>
      %add3A_504 = arith.addf %get3A_499, %get3A_503 : vector<16xf32>
      %add3A_505 = arith.addf %add3A_504, %get3A_83 : vector<16xf32>
      %get3A_506 = arith.index_cast %scan3A_495 : i32 to index
      %get3A_507 = arith.constant 16 : index
      %get3A_508 = tpu.vector_load %arg11[%get3A_506, %get3A_507] {strides = array<i32>} : memref<64x128xf32, #tpu.memory_space<vmem>>, vector<1x16xf32>,
      %get3A_509 = vector.shape_cast %get3A_508 : vector<1x16xf32> to vector<16xf32>
      %get3A_510 = arith.index_cast %scan3A_495 : i32 to index
      %get3A_511 = arith.constant 16 : index
      %get3A_512 = tpu.vector_load %arg12[%get3A_510, %get3A_511] {strides = array<i32>} : memref<64x128xf32, #tpu.memory_space<vmem>>, vector<1x16xf32>,
      %get3A_513 = vector.shape_cast %get3A_512 : vector<1x16xf32> to vector<16xf32>
      %add3A_514 = arith.addf %get3A_509, %get3A_513 : vector<16xf32>
      %add3A_515 = arith.addf %add3A_514, %get3A_88 : vector<16xf32>
      %get3A_516 = arith.index_cast %scan3A_495 : i32 to index
      %get3A_517 = arith.constant 32 : index
      %get3A_518 = tpu.vector_load %arg11[%get3A_516, %get3A_517] {strides = array<i32>} : memref<64x128xf32, #tpu.memory_space<vmem>>, vector<1x16xf32>,
      %get3A_519 = vector.shape_cast %get3A_518 : vector<1x16xf32> to vector<16xf32>
      %get3A_520 = arith.index_cast %scan3A_495 : i32 to index
      %get3A_521 = arith.constant 32 : index
      %get3A_522 = tpu.vector_load %arg12[%get3A_520, %get3A_521] {strides = array<i32>} : memref<64x128xf32, #tpu.memory_space<vmem>>, vector<1x16xf32>,
      %get3A_523 = vector.shape_cast %get3A_522 : vector<1x16xf32> to vector<16xf32>
      %add3A_524 = arith.addf %get3A_519, %get3A_523 : vector<16xf32>
      %add3A_525 = arith.addf %add3A_524, %get3A_93 : vector<16xf32>
      %get3A_526 = arith.index_cast %scan3A_495 : i32 to index
      %get3A_527 = arith.constant 48 : index
      %get3A_528 = tpu.vector_load %arg11[%get3A_526, %get3A_527] {strides = array<i32>} : memref<64x128xf32, #tpu.memory_space<vmem>>, vector<1x16xf32>,
      %get3A_529 = vector.shape_cast %get3A_528 : vector<1x16xf32> to vector<16xf32>
      %get3A_530 = arith.index_cast %scan3A_495 : i32 to index
      %get3A_531 = arith.constant 48 : index
      %get3A_532 = tpu.vector_load %arg12[%get3A_530, %get3A_531] {strides = array<i32>} : memref<64x128xf32, #tpu.memory_space<vmem>>, vector<1x16xf32>,
      %get3A_533 = vector.shape_cast %get3A_532 : vector<1x16xf32> to vector<16xf32>
      %add3A_534 = arith.addf %get3A_529, %get3A_533 : vector<16xf32>
      %add3A_535 = arith.addf %add3A_534, %get3A_98 : vector<16xf32>
      %get3A_536 = arith.index_cast %scan3A_495 : i32 to index
      %get3A_537 = arith.constant 64 : index
      %get3A_538 = tpu.vector_load %arg11[%get3A_536, %get3A_537] {strides = array<i32>} : memref<64x128xf32, #tpu.memory_space<vmem>>, vector<1x16xf32>,
      %get3A_539 = vector.shape_cast %get3A_538 : vector<1x16xf32> to vector<16xf32>
      %get3A_540 = arith.index_cast %scan3A_495 : i32 to index
      %get3A_541 = arith.constant 64 : index
      %get3A_542 = tpu.vector_load %arg12[%get3A_540, %get3A_541] {strides = array<i32>} : memref<64x128xf32, #tpu.memory_space<vmem>>, vector<1x16xf32>,
      %get3A_543 = vector.shape_cast %get3A_542 : vector<1x16xf32> to vector<16xf32>
      %add3A_544 = arith.addf %get3A_539, %get3A_543 : vector<16xf32>
      %add3A_545 = arith.addf %add3A_544, %get3A_103 : vector<16xf32>
      %get3A_546 = arith.index_cast %scan3A_495 : i32 to index
      %get3A_547 = arith.constant 80 : index
      %get3A_548 = tpu.vector_load %arg11[%get3A_546, %get3A_547] {strides = array<i32>} : memref<64x128xf32, #tpu.memory_space<vmem>>, vector<1x16xf32>,
      %get3A_549 = vector.shape_cast %get3A_548 : vector<1x16xf32> to vector<16xf32>
      %get3A_550 = arith.index_cast %scan3A_495 : i32 to index
      %get3A_551 = arith.constant 80 : index
      %get3A_552 = tpu.vector_load %arg12[%get3A_550, %get3A_551] {strides = array<i32>} : memref<64x128xf32, #tpu.memory_space<vmem>>, vector<1x16xf32>,
      %get3A_553 = vector.shape_cast %get3A_552 : vector<1x16xf32> to vector<16xf32>
      %add3A_554 = arith.addf %get3A_549, %get3A_553 : vector<16xf32>
      %add3A_555 = arith.addf %add3A_554, %get3A_108 : vector<16xf32>
      %get3A_556 = arith.index_cast %scan3A_495 : i32 to index
      %get3A_557 = arith.constant 96 : index
      %get3A_558 = tpu.vector_load %arg11[%get3A_556, %get3A_557] {strides = array<i32>} : memref<64x128xf32, #tpu.memory_space<vmem>>, vector<1x16xf32>,
      %get3A_559 = vector.shape_cast %get3A_558 : vector<1x16xf32> to vector<16xf32>
      %get3A_560 = arith.index_cast %scan3A_495 : i32 to index
      %get3A_561 = arith.constant 96 : index
      %get3A_562 = tpu.vector_load %arg12[%get3A_560, %get3A_561] {strides = array<i32>} : memref<64x128xf32, #tpu.memory_space<vmem>>, vector<1x16xf32>,
      %get3A_563 = vector.shape_cast %get3A_562 : vector<1x16xf32> to vector<16xf32>
      %add3A_564 = arith.addf %get3A_559, %get3A_563 : vector<16xf32>
      %add3A_565 = arith.addf %add3A_564, %get3A_113 : vector<16xf32>
      %get3A_566 = arith.index_cast %scan3A_495 : i32 to index
      %get3A_567 = arith.constant 112 : index
      %get3A_568 = tpu.vector_load %arg11[%get3A_566, %get3A_567] {strides = array<i32>} : memref<64x128xf32, #tpu.memory_space<vmem>>, vector<1x16xf32>,
      %get3A_569 = vector.shape_cast %get3A_568 : vector<1x16xf32> to vector<16xf32>
      %get3A_570 = arith.index_cast %scan3A_495 : i32 to index
      %get3A_571 = arith.constant 112 : index
      %get3A_572 = tpu.vector_load %arg12[%get3A_570, %get3A_571] {strides = array<i32>} : memref<64x128xf32, #tpu.memory_space<vmem>>, vector<1x16xf32>,
      %get3A_573 = vector.shape_cast %get3A_572 : vector<1x16xf32> to vector<16xf32>
      %add3A_574 = arith.addf %get3A_569, %get3A_573 : vector<16xf32>
      %add3A_575 = arith.addf %add3A_574, %get3A_118 : vector<16xf32>
      %mul3A_576 = arith.mulf %add3A_505, %add3A_505 : vector<16xf32>
      %mul3A_577 = arith.mulf %add3A_515, %add3A_515 : vector<16xf32>
      %mul3A_578 = arith.mulf %add3A_525, %add3A_525 : vector<16xf32>
      %mul3A_579 = arith.mulf %add3A_535, %add3A_535 : vector<16xf32>
      %mul3A_580 = arith.mulf %add3A_545, %add3A_545 : vector<16xf32>
      %mul3A_581 = arith.mulf %add3A_555, %add3A_555 : vector<16xf32>
      %mul3A_582 = arith.mulf %add3A_565, %add3A_565 : vector<16xf32>
      %mul3A_583 = arith.mulf %add3A_575, %add3A_575 : vector<16xf32>
      %add3A_584 = arith.addf %add3A_505, %add3A_515 : vector<16xf32>
      %add3A_585 = arith.addf %add3A_525, %add3A_535 : vector<16xf32>
      %add3A_586 = arith.addf %add3A_584, %add3A_585 : vector<16xf32>
      %add3A_587 = arith.addf %add3A_545, %add3A_555 : vector<16xf32>
      %add3A_588 = arith.addf %add3A_565, %add3A_575 : vector<16xf32>
      %add3A_589 = arith.addf %add3A_587, %add3A_588 : vector<16xf32>
      %add3A_590 = arith.addf %mul3A_576, %mul3A_577 : vector<16xf32>
      %add3A_591 = arith.addf %mul3A_578, %mul3A_579 : vector<16xf32>
      %add3A_592 = arith.addf %add3A_590, %add3A_591 : vector<16xf32>
      %add3A_593 = arith.addf %mul3A_580, %mul3A_581 : vector<16xf32>
      %add3A_594 = arith.addf %mul3A_582, %mul3A_583 : vector<16xf32>
      %add3A_595 = arith.addf %add3A_593, %add3A_594 : vector<16xf32>
      %add3A_596 = arith.addf %add3A_586, %add3A_589 : vector<16xf32>
      %lt3A_597 = arith.constant 0 : i32
      %lt3A_598 = vector.broadcast %lt3A_597 : i32 to vector<16xi32>
      %lt3A_599 = arith.cmpi slt, %xor3A_170, %lt3A_598 : vector<16xi32>
      %add3A_600 = arith.constant 16 : i32
      %add3A_601 = vector.broadcast %add3A_600 : i32 to vector<16xi32>
      %add3A_602 = arith.addi %xor3A_170, %add3A_601 : vector<16xi32>
      %select_n3A_603 = arith.select %lt3A_599, %add3A_602, %xor3A_170 : vector<16xi1>, vector<16xi32>
      %broadcast_in_dim3A_604 = vector.shape_cast %select_n3A_603 : vector<16xi32> to vector<16x1xi32>
      %gather3A_605 = vector.shape_cast %broadcast_in_dim3A_604 : vector<16x1xi32> to vector<16xi32>
      %gather3A_606 = tpu.dynamic_gather %add3A_596[%gather3A_605] in [0] : vector<16xf32>, vector<16xi32> -> vector<16xf32>
      %add3A_607 = arith.addf %add3A_596, %gather3A_606 : vector<16xf32>
      %lt3A_608 = arith.constant 0 : i32
      %lt3A_609 = vector.broadcast %lt3A_608 : i32 to vector<16xi32>
      %lt3A_610 = arith.cmpi slt, %xor3A_173, %lt3A_609 : vector<16xi32>
      %add3A_611 = arith.constant 16 : i32
      %add3A_612 = vector.broadcast %add3A_611 : i32 to vector<16xi32>
      %add3A_613 = arith.addi %xor3A_173, %add3A_612 : vector<16xi32>
      %select_n3A_614 = arith.select %lt3A_610, %add3A_613, %xor3A_173 : vector<16xi1>, vector<16xi32>
      %broadcast_in_dim3A_615 = vector.shape_cast %select_n3A_614 : vector<16xi32> to vector<16x1xi32>
      %gather3A_616 = vector.shape_cast %broadcast_in_dim3A_615 : vector<16x1xi32> to vector<16xi32>
      %gather3A_617 = tpu.dynamic_gather %add3A_607[%gather3A_616] in [0] : vector<16xf32>, vector<16xi32> -> vector<16xf32>
      %add3A_618 = arith.addf %add3A_607, %gather3A_617 : vector<16xf32>
      %lt3A_619 = arith.constant 0 : i32
      %lt3A_620 = vector.broadcast %lt3A_619 : i32 to vector<16xi32>
      %lt3A_621 = arith.cmpi slt, %xor3A_176, %lt3A_620 : vector<16xi32>
      %add3A_622 = arith.constant 16 : i32
      %add3A_623 = vector.broadcast %add3A_622 : i32 to vector<16xi32>
      %add3A_624 = arith.addi %xor3A_176, %add3A_623 : vector<16xi32>
      %select_n3A_625 = arith.select %lt3A_621, %add3A_624, %xor3A_176 : vector<16xi1>, vector<16xi32>
      %broadcast_in_dim3A_626 = vector.shape_cast %select_n3A_625 : vector<16xi32> to vector<16x1xi32>
      %gather3A_627 = vector.shape_cast %broadcast_in_dim3A_626 : vector<16x1xi32> to vector<16xi32>
      %gather3A_628 = tpu.dynamic_gather %add3A_618[%gather3A_627] in [0] : vector<16xf32>, vector<16xi32> -> vector<16xf32>
      %add3A_629 = arith.addf %add3A_618, %gather3A_628 : vector<16xf32>
      %lt3A_630 = arith.constant 0 : i32
      %lt3A_631 = vector.broadcast %lt3A_630 : i32 to vector<16xi32>
      %lt3A_632 = arith.cmpi slt, %xor3A_179, %lt3A_631 : vector<16xi32>
      %add3A_633 = arith.constant 16 : i32
      %add3A_634 = vector.broadcast %add3A_633 : i32 to vector<16xi32>
      %add3A_635 = arith.addi %xor3A_179, %add3A_634 : vector<16xi32>
      %select_n3A_636 = arith.select %lt3A_632, %add3A_635, %xor3A_179 : vector<16xi1>, vector<16xi32>
      %broadcast_in_dim3A_637 = vector.shape_cast %select_n3A_636 : vector<16xi32> to vector<16x1xi32>
      %gather3A_638 = vector.shape_cast %broadcast_in_dim3A_637 : vector<16x1xi32> to vector<16xi32>
      %gather3A_639 = tpu.dynamic_gather %add3A_629[%gather3A_638] in [0] : vector<16xf32>, vector<16xi32> -> vector<16xf32>
      %add3A_640 = arith.addf %add3A_629, %gather3A_639 : vector<16xf32>
      %mul3A_641 = vector.broadcast %scan3A_180 : f32 to vector<16xf32>
      %mul3A_642 = arith.mulf %add3A_640, %mul3A_641 : vector<16xf32>
      %add3A_643 = arith.addf %add3A_592, %add3A_595 : vector<16xf32>
      %lt3A_644 = arith.constant 0 : i32
      %lt3A_645 = vector.broadcast %lt3A_644 : i32 to vector<16xi32>
      %lt3A_646 = arith.cmpi slt, %xor3A_170, %lt3A_645 : vector<16xi32>
      %add3A_647 = arith.constant 16 : i32
      %add3A_648 = vector.broadcast %add3A_647 : i32 to vector<16xi32>
      %add3A_649 = arith.addi %xor3A_170, %add3A_648 : vector<16xi32>
      %select_n3A_650 = arith.select %lt3A_646, %add3A_649, %xor3A_170 : vector<16xi1>, vector<16xi32>
      %broadcast_in_dim3A_651 = vector.shape_cast %select_n3A_650 : vector<16xi32> to vector<16x1xi32>
      %gather3A_652 = vector.shape_cast %broadcast_in_dim3A_651 : vector<16x1xi32> to vector<16xi32>
      %gather3A_653 = tpu.dynamic_gather %add3A_643[%gather3A_652] in [0] : vector<16xf32>, vector<16xi32> -> vector<16xf32>
      %add3A_654 = arith.addf %add3A_643, %gather3A_653 : vector<16xf32>
      %lt3A_655 = arith.constant 0 : i32
      %lt3A_656 = vector.broadcast %lt3A_655 : i32 to vector<16xi32>
      %lt3A_657 = arith.cmpi slt, %xor3A_173, %lt3A_656 : vector<16xi32>
      %add3A_658 = arith.constant 16 : i32
      %add3A_659 = vector.broadcast %add3A_658 : i32 to vector<16xi32>
      %add3A_660 = arith.addi %xor3A_173, %add3A_659 : vector<16xi32>
      %select_n3A_661 = arith.select %lt3A_657, %add3A_660, %xor3A_173 : vector<16xi1>, vector<16xi32>
      %broadcast_in_dim3A_662 = vector.shape_cast %select_n3A_661 : vector<16xi32> to vector<16x1xi32>
      %gather3A_663 = vector.shape_cast %broadcast_in_dim3A_662 : vector<16x1xi32> to vector<16xi32>
      %gather3A_664 = tpu.dynamic_gather %add3A_654[%gather3A_663] in [0] : vector<16xf32>, vector<16xi32> -> vector<16xf32>
      %add3A_665 = arith.addf %add3A_654, %gather3A_664 : vector<16xf32>
      %lt3A_666 = arith.constant 0 : i32
      %lt3A_667 = vector.broadcast %lt3A_666 : i32 to vector<16xi32>
      %lt3A_668 = arith.cmpi slt, %xor3A_176, %lt3A_667 : vector<16xi32>
      %add3A_669 = arith.constant 16 : i32
      %add3A_670 = vector.broadcast %add3A_669 : i32 to vector<16xi32>
      %add3A_671 = arith.addi %xor3A_176, %add3A_670 : vector<16xi32>
      %select_n3A_672 = arith.select %lt3A_668, %add3A_671, %xor3A_176 : vector<16xi1>, vector<16xi32>
      %broadcast_in_dim3A_673 = vector.shape_cast %select_n3A_672 : vector<16xi32> to vector<16x1xi32>
      %gather3A_674 = vector.shape_cast %broadcast_in_dim3A_673 : vector<16x1xi32> to vector<16xi32>
      %gather3A_675 = tpu.dynamic_gather %add3A_665[%gather3A_674] in [0] : vector<16xf32>, vector<16xi32> -> vector<16xf32>
      %add3A_676 = arith.addf %add3A_665, %gather3A_675 : vector<16xf32>
      %lt3A_677 = arith.constant 0 : i32
      %lt3A_678 = vector.broadcast %lt3A_677 : i32 to vector<16xi32>
      %lt3A_679 = arith.cmpi slt, %xor3A_179, %lt3A_678 : vector<16xi32>
      %add3A_680 = arith.constant 16 : i32
      %add3A_681 = vector.broadcast %add3A_680 : i32 to vector<16xi32>
      %add3A_682 = arith.addi %xor3A_179, %add3A_681 : vector<16xi32>
      %select_n3A_683 = arith.select %lt3A_679, %add3A_682, %xor3A_179 : vector<16xi1>, vector<16xi32>
      %broadcast_in_dim3A_684 = vector.shape_cast %select_n3A_683 : vector<16xi32> to vector<16x1xi32>
      %gather3A_685 = vector.shape_cast %broadcast_in_dim3A_684 : vector<16x1xi32> to vector<16xi32>
      %gather3A_686 = tpu.dynamic_gather %add3A_676[%gather3A_685] in [0] : vector<16xf32>, vector<16xi32> -> vector<16xf32>
      %add3A_687 = arith.addf %add3A_676, %gather3A_686 : vector<16xf32>
      %mul3A_688 = vector.broadcast %scan3A_180 : f32 to vector<16xf32>
      %mul3A_689 = arith.mulf %add3A_687, %mul3A_688 : vector<16xf32>
      %mul3A_690 = arith.mulf %mul3A_642, %mul3A_642 : vector<16xf32>
      %sub3A_691 = arith.subf %mul3A_689, %mul3A_690 : vector<16xf32>
      %add3A_692 = arith.constant 9.99999974E-6 : f32
      %add3A_693 = vector.broadcast %add3A_692 : f32 to vector<16xf32>
      %add3A_694 = arith.addf %sub3A_691, %add3A_693 : vector<16xf32>
      %bitcast_convert_type3A_695 = tpu.bitcast %add3A_694 : vector<16xf32> -> vector<16xi32>
      %shift_right_logical3A_696 = arith.constant 1 : i32
      %shift_right_logical3A_697 = vector.broadcast %shift_right_logical3A_696 : i32 to vector<16xi32>
      %shift_right_logical3A_698 = arith.shrui %bitcast_convert_type3A_695, %shift_right_logical3A_697 : vector<16xi32>
      %sub3A_699 = arith.constant 1597463007 : i32
      %sub3A_700 = vector.broadcast %sub3A_699 : i32 to vector<16xi32>
      %sub3A_701 = arith.subi %sub3A_700, %shift_right_logical3A_698 : vector<16xi32>
      %bitcast_convert_type3A_702 = tpu.bitcast %sub3A_701 : vector<16xi32> -> vector<16xf32>
      %mul3A_703 = arith.constant 5.000000e-01 : f32
      %mul3A_704 = vector.broadcast %mul3A_703 : f32 to vector<16xf32>
      %mul3A_705 = arith.mulf %add3A_694, %mul3A_704 : vector<16xf32>
      %mul3A_706 = arith.mulf %mul3A_705, %bitcast_convert_type3A_702 : vector<16xf32>
      %mul3A_707 = arith.mulf %mul3A_706, %bitcast_convert_type3A_702 : vector<16xf32>
      %sub3A_708 = arith.constant 1.500000e+00 : f32
      %sub3A_709 = vector.broadcast %sub3A_708 : f32 to vector<16xf32>
      %sub3A_710 = arith.subf %sub3A_709, %mul3A_707 : vector<16xf32>
      %mul3A_711 = arith.mulf %bitcast_convert_type3A_702, %sub3A_710 : vector<16xf32>
      %mul3A_712 = arith.mulf %mul3A_705, %mul3A_711 : vector<16xf32>
      %mul3A_713 = arith.mulf %mul3A_712, %mul3A_711 : vector<16xf32>
      %sub3A_714 = arith.constant 1.500000e+00 : f32
      %sub3A_715 = vector.broadcast %sub3A_714 : f32 to vector<16xf32>
      %sub3A_716 = arith.subf %sub3A_715, %mul3A_713 : vector<16xf32>
      %mul3A_717 = arith.mulf %mul3A_711, %sub3A_716 : vector<16xf32>
      %mul3A_718 = arith.mulf %mul3A_705, %mul3A_717 : vector<16xf32>
      %mul3A_719 = arith.mulf %mul3A_718, %mul3A_717 : vector<16xf32>
      %sub3A_720 = arith.constant 1.500000e+00 : f32
      %sub3A_721 = vector.broadcast %sub3A_720 : f32 to vector<16xf32>
      %sub3A_722 = arith.subf %sub3A_721, %mul3A_719 : vector<16xf32>
      %mul3A_723 = arith.mulf %mul3A_717, %sub3A_722 : vector<16xf32>
      %mul3A_724 = arith.mulf %mul3A_642, %mul3A_723 : vector<16xf32>
      %neg3A_725 = arith.constant 0.000000e+00 : f32
      %neg3A_726 = vector.broadcast %neg3A_725 : f32 to vector<16xf32>
      %neg3A_727 = arith.subf %neg3A_726, %mul3A_724 : vector<16xf32>
      %mul3A_728 = arith.mulf %mul3A_723, %get3A_121 : vector<16xf32>
      %mul3A_729 = arith.mulf %neg3A_727, %get3A_121 : vector<16xf32>
      %add3A_730 = arith.addf %mul3A_729, %get3A_145 : vector<16xf32>
      %mul3A_731 = arith.mulf %add3A_505, %mul3A_728 : vector<16xf32>
      %add3A_732 = arith.addf %mul3A_731, %add3A_730 : vector<16xf32>
      %swap3A_733 = arith.index_cast %scan3A_495 : i32 to index
      %swap3A_734 = arith.constant 0 : index
      %swap3A_735 = tpu.vector_load %arg11[%swap3A_733, %swap3A_734] {strides = array<i32>} : memref<64x128xf32, #tpu.memory_space<vmem>>, vector<1x16xf32>,
      %swap3A_736 = vector.shape_cast %swap3A_735 : vector<1x16xf32> to vector<16xf32>
      %swap3A_737 = vector.shape_cast %add3A_732 : vector<16xf32> to vector<1x16xf32>
      tpu.vector_store %arg11[%swap3A_733, %swap3A_734], %swap3A_737 {strides = array<i32>} : memref<64x128xf32, #tpu.memory_space<vmem>>, vector<1x16xf32>,
      %mul3A_738 = arith.mulf %mul3A_723, %get3A_124 : vector<16xf32>
      %mul3A_739 = arith.mulf %neg3A_727, %get3A_124 : vector<16xf32>
      %add3A_740 = arith.addf %mul3A_739, %get3A_148 : vector<16xf32>
      %mul3A_741 = arith.mulf %add3A_515, %mul3A_738 : vector<16xf32>
      %add3A_742 = arith.addf %mul3A_741, %add3A_740 : vector<16xf32>
      %swap3A_743 = arith.index_cast %scan3A_495 : i32 to index
      %swap3A_744 = arith.constant 16 : index
      %swap3A_745 = tpu.vector_load %arg11[%swap3A_743, %swap3A_744] {strides = array<i32>} : memref<64x128xf32, #tpu.memory_space<vmem>>, vector<1x16xf32>,
      %swap3A_746 = vector.shape_cast %swap3A_745 : vector<1x16xf32> to vector<16xf32>
      %swap3A_747 = vector.shape_cast %add3A_742 : vector<16xf32> to vector<1x16xf32>
      tpu.vector_store %arg11[%swap3A_743, %swap3A_744], %swap3A_747 {strides = array<i32>} : memref<64x128xf32, #tpu.memory_space<vmem>>, vector<1x16xf32>,
      %mul3A_748 = arith.mulf %mul3A_723, %get3A_127 : vector<16xf32>
      %mul3A_749 = arith.mulf %neg3A_727, %get3A_127 : vector<16xf32>
      %add3A_750 = arith.addf %mul3A_749, %get3A_151 : vector<16xf32>
      %mul3A_751 = arith.mulf %add3A_525, %mul3A_748 : vector<16xf32>
      %add3A_752 = arith.addf %mul3A_751, %add3A_750 : vector<16xf32>
      %swap3A_753 = arith.index_cast %scan3A_495 : i32 to index
      %swap3A_754 = arith.constant 32 : index
      %swap3A_755 = tpu.vector_load %arg11[%swap3A_753, %swap3A_754] {strides = array<i32>} : memref<64x128xf32, #tpu.memory_space<vmem>>, vector<1x16xf32>,
      %swap3A_756 = vector.shape_cast %swap3A_755 : vector<1x16xf32> to vector<16xf32>
      %swap3A_757 = vector.shape_cast %add3A_752 : vector<16xf32> to vector<1x16xf32>
      tpu.vector_store %arg11[%swap3A_753, %swap3A_754], %swap3A_757 {strides = array<i32>} : memref<64x128xf32, #tpu.memory_space<vmem>>, vector<1x16xf32>,
      %mul3A_758 = arith.mulf %mul3A_723, %get3A_130 : vector<16xf32>
      %mul3A_759 = arith.mulf %neg3A_727, %get3A_130 : vector<16xf32>
      %add3A_760 = arith.addf %mul3A_759, %get3A_154 : vector<16xf32>
      %mul3A_761 = arith.mulf %add3A_535, %mul3A_758 : vector<16xf32>
      %add3A_762 = arith.addf %mul3A_761, %add3A_760 : vector<16xf32>
      %swap3A_763 = arith.index_cast %scan3A_495 : i32 to index
      %swap3A_764 = arith.constant 48 : index
      %swap3A_765 = tpu.vector_load %arg11[%swap3A_763, %swap3A_764] {strides = array<i32>} : memref<64x128xf32, #tpu.memory_space<vmem>>, vector<1x16xf32>,
      %swap3A_766 = vector.shape_cast %swap3A_765 : vector<1x16xf32> to vector<16xf32>
      %swap3A_767 = vector.shape_cast %add3A_762 : vector<16xf32> to vector<1x16xf32>
      tpu.vector_store %arg11[%swap3A_763, %swap3A_764], %swap3A_767 {strides = array<i32>} : memref<64x128xf32, #tpu.memory_space<vmem>>, vector<1x16xf32>,
      %mul3A_768 = arith.mulf %mul3A_723, %get3A_133 : vector<16xf32>
      %mul3A_769 = arith.mulf %neg3A_727, %get3A_133 : vector<16xf32>
      %add3A_770 = arith.addf %mul3A_769, %get3A_157 : vector<16xf32>
      %mul3A_771 = arith.mulf %add3A_545, %mul3A_768 : vector<16xf32>
      %add3A_772 = arith.addf %mul3A_771, %add3A_770 : vector<16xf32>
      %swap3A_773 = arith.index_cast %scan3A_495 : i32 to index
      %swap3A_774 = arith.constant 64 : index
      %swap3A_775 = tpu.vector_load %arg11[%swap3A_773, %swap3A_774] {strides = array<i32>} : memref<64x128xf32, #tpu.memory_space<vmem>>, vector<1x16xf32>,
      %swap3A_776 = vector.shape_cast %swap3A_775 : vector<1x16xf32> to vector<16xf32>
      %swap3A_777 = vector.shape_cast %add3A_772 : vector<16xf32> to vector<1x16xf32>
      tpu.vector_store %arg11[%swap3A_773, %swap3A_774], %swap3A_777 {strides = array<i32>} : memref<64x128xf32, #tpu.memory_space<vmem>>, vector<1x16xf32>,
      %mul3A_778 = arith.mulf %mul3A_723, %get3A_136 : vector<16xf32>
      %mul3A_779 = arith.mulf %neg3A_727, %get3A_136 : vector<16xf32>
      %add3A_780 = arith.addf %mul3A_779, %get3A_160 : vector<16xf32>
      %mul3A_781 = arith.mulf %add3A_555, %mul3A_778 : vector<16xf32>
      %add3A_782 = arith.addf %mul3A_781, %add3A_780 : vector<16xf32>
      %swap3A_783 = arith.index_cast %scan3A_495 : i32 to index
      %swap3A_784 = arith.constant 80 : index
      %swap3A_785 = tpu.vector_load %arg11[%swap3A_783, %swap3A_784] {strides = array<i32>} : memref<64x128xf32, #tpu.memory_space<vmem>>, vector<1x16xf32>,
      %swap3A_786 = vector.shape_cast %swap3A_785 : vector<1x16xf32> to vector<16xf32>
      %swap3A_787 = vector.shape_cast %add3A_782 : vector<16xf32> to vector<1x16xf32>
      tpu.vector_store %arg11[%swap3A_783, %swap3A_784], %swap3A_787 {strides = array<i32>} : memref<64x128xf32, #tpu.memory_space<vmem>>, vector<1x16xf32>,
      %mul3A_788 = arith.mulf %mul3A_723, %get3A_139 : vector<16xf32>
      %mul3A_789 = arith.mulf %neg3A_727, %get3A_139 : vector<16xf32>
      %add3A_790 = arith.addf %mul3A_789, %get3A_163 : vector<16xf32>
      %mul3A_791 = arith.mulf %add3A_565, %mul3A_788 : vector<16xf32>
      %add3A_792 = arith.addf %mul3A_791, %add3A_790 : vector<16xf32>
      %swap3A_793 = arith.index_cast %scan3A_495 : i32 to index
      %swap3A_794 = arith.constant 96 : index
      %swap3A_795 = tpu.vector_load %arg11[%swap3A_793, %swap3A_794] {strides = array<i32>} : memref<64x128xf32, #tpu.memory_space<vmem>>, vector<1x16xf32>,
      %swap3A_796 = vector.shape_cast %swap3A_795 : vector<1x16xf32> to vector<16xf32>
      %swap3A_797 = vector.shape_cast %add3A_792 : vector<16xf32> to vector<1x16xf32>
      tpu.vector_store %arg11[%swap3A_793, %swap3A_794], %swap3A_797 {strides = array<i32>} : memref<64x128xf32, #tpu.memory_space<vmem>>, vector<1x16xf32>,
      %mul3A_798 = arith.mulf %mul3A_723, %get3A_142 : vector<16xf32>
      %mul3A_799 = arith.mulf %neg3A_727, %get3A_142 : vector<16xf32>
      %add3A_800 = arith.addf %mul3A_799, %get3A_166 : vector<16xf32>
      %mul3A_801 = arith.mulf %add3A_575, %mul3A_798 : vector<16xf32>
      %add3A_802 = arith.addf %mul3A_801, %add3A_800 : vector<16xf32>
      %swap3A_803 = arith.index_cast %scan3A_495 : i32 to index
      %swap3A_804 = arith.constant 112 : index
      %swap3A_805 = tpu.vector_load %arg11[%swap3A_803, %swap3A_804] {strides = array<i32>} : memref<64x128xf32, #tpu.memory_space<vmem>>, vector<1x16xf32>,
      %swap3A_806 = vector.shape_cast %swap3A_805 : vector<1x16xf32> to vector<16xf32>
      %swap3A_807 = vector.shape_cast %add3A_802 : vector<16xf32> to vector<1x16xf32>
      tpu.vector_store %arg11[%swap3A_803, %swap3A_804], %swap3A_807 {strides = array<i32>} : memref<64x128xf32, #tpu.memory_space<vmem>>, vector<1x16xf32>,
      %scan3A_808 = arith.constant 2 : i32
      %scan3A_809 = arith.addi %scan3A_186, %scan3A_808 : i32
      %get3A_810 = arith.index_cast %scan3A_809 : i32 to index
      %get3A_811 = arith.constant 0 : index
      %get3A_812 = tpu.vector_load %arg11[%get3A_810, %get3A_811] {strides = array<i32>} : memref<64x128xf32, #tpu.memory_space<vmem>>, vector<1x16xf32>,
      %get3A_813 = vector.shape_cast %get3A_812 : vector<1x16xf32> to vector<16xf32>
      %get3A_814 = arith.index_cast %scan3A_809 : i32 to index
      %get3A_815 = arith.constant 0 : index
      %get3A_816 = tpu.vector_load %arg12[%get3A_814, %get3A_815] {strides = array<i32>} : memref<64x128xf32, #tpu.memory_space<vmem>>, vector<1x16xf32>,
      %get3A_817 = vector.shape_cast %get3A_816 : vector<1x16xf32> to vector<16xf32>
      %add3A_818 = arith.addf %get3A_813, %get3A_817 : vector<16xf32>
      %add3A_819 = arith.addf %add3A_818, %get3A_83 : vector<16xf32>
      %get3A_820 = arith.index_cast %scan3A_809 : i32 to index
      %get3A_821 = arith.constant 16 : index
      %get3A_822 = tpu.vector_load %arg11[%get3A_820, %get3A_821] {strides = array<i32>} : memref<64x128xf32, #tpu.memory_space<vmem>>, vector<1x16xf32>,
      %get3A_823 = vector.shape_cast %get3A_822 : vector<1x16xf32> to vector<16xf32>
      %get3A_824 = arith.index_cast %scan3A_809 : i32 to index
      %get3A_825 = arith.constant 16 : index
      %get3A_826 = tpu.vector_load %arg12[%get3A_824, %get3A_825] {strides = array<i32>} : memref<64x128xf32, #tpu.memory_space<vmem>>, vector<1x16xf32>,
      %get3A_827 = vector.shape_cast %get3A_826 : vector<1x16xf32> to vector<16xf32>
      %add3A_828 = arith.addf %get3A_823, %get3A_827 : vector<16xf32>
      %add3A_829 = arith.addf %add3A_828, %get3A_88 : vector<16xf32>
      %get3A_830 = arith.index_cast %scan3A_809 : i32 to index
      %get3A_831 = arith.constant 32 : index
      %get3A_832 = tpu.vector_load %arg11[%get3A_830, %get3A_831] {strides = array<i32>} : memref<64x128xf32, #tpu.memory_space<vmem>>, vector<1x16xf32>,
      %get3A_833 = vector.shape_cast %get3A_832 : vector<1x16xf32> to vector<16xf32>
      %get3A_834 = arith.index_cast %scan3A_809 : i32 to index
      %get3A_835 = arith.constant 32 : index
      %get3A_836 = tpu.vector_load %arg12[%get3A_834, %get3A_835] {strides = array<i32>} : memref<64x128xf32, #tpu.memory_space<vmem>>, vector<1x16xf32>,
      %get3A_837 = vector.shape_cast %get3A_836 : vector<1x16xf32> to vector<16xf32>
      %add3A_838 = arith.addf %get3A_833, %get3A_837 : vector<16xf32>
      %add3A_839 = arith.addf %add3A_838, %get3A_93 : vector<16xf32>
      %get3A_840 = arith.index_cast %scan3A_809 : i32 to index
      %get3A_841 = arith.constant 48 : index
      %get3A_842 = tpu.vector_load %arg11[%get3A_840, %get3A_841] {strides = array<i32>} : memref<64x128xf32, #tpu.memory_space<vmem>>, vector<1x16xf32>,
      %get3A_843 = vector.shape_cast %get3A_842 : vector<1x16xf32> to vector<16xf32>
      %get3A_844 = arith.index_cast %scan3A_809 : i32 to index
      %get3A_845 = arith.constant 48 : index
      %get3A_846 = tpu.vector_load %arg12[%get3A_844, %get3A_845] {strides = array<i32>} : memref<64x128xf32, #tpu.memory_space<vmem>>, vector<1x16xf32>,
      %get3A_847 = vector.shape_cast %get3A_846 : vector<1x16xf32> to vector<16xf32>
      %add3A_848 = arith.addf %get3A_843, %get3A_847 : vector<16xf32>
      %add3A_849 = arith.addf %add3A_848, %get3A_98 : vector<16xf32>
      %get3A_850 = arith.index_cast %scan3A_809 : i32 to index
      %get3A_851 = arith.constant 64 : index
      %get3A_852 = tpu.vector_load %arg11[%get3A_850, %get3A_851] {strides = array<i32>} : memref<64x128xf32, #tpu.memory_space<vmem>>, vector<1x16xf32>,
      %get3A_853 = vector.shape_cast %get3A_852 : vector<1x16xf32> to vector<16xf32>
      %get3A_854 = arith.index_cast %scan3A_809 : i32 to index
      %get3A_855 = arith.constant 64 : index
      %get3A_856 = tpu.vector_load %arg12[%get3A_854, %get3A_855] {strides = array<i32>} : memref<64x128xf32, #tpu.memory_space<vmem>>, vector<1x16xf32>,
      %get3A_857 = vector.shape_cast %get3A_856 : vector<1x16xf32> to vector<16xf32>
      %add3A_858 = arith.addf %get3A_853, %get3A_857 : vector<16xf32>
      %add3A_859 = arith.addf %add3A_858, %get3A_103 : vector<16xf32>
      %get3A_860 = arith.index_cast %scan3A_809 : i32 to index
      %get3A_861 = arith.constant 80 : index
      %get3A_862 = tpu.vector_load %arg11[%get3A_860, %get3A_861] {strides = array<i32>} : memref<64x128xf32, #tpu.memory_space<vmem>>, vector<1x16xf32>,
      %get3A_863 = vector.shape_cast %get3A_862 : vector<1x16xf32> to vector<16xf32>
      %get3A_864 = arith.index_cast %scan3A_809 : i32 to index
      %get3A_865 = arith.constant 80 : index
      %get3A_866 = tpu.vector_load %arg12[%get3A_864, %get3A_865] {strides = array<i32>} : memref<64x128xf32, #tpu.memory_space<vmem>>, vector<1x16xf32>,
      %get3A_867 = vector.shape_cast %get3A_866 : vector<1x16xf32> to vector<16xf32>
      %add3A_868 = arith.addf %get3A_863, %get3A_867 : vector<16xf32>
      %add3A_869 = arith.addf %add3A_868, %get3A_108 : vector<16xf32>
      %get3A_870 = arith.index_cast %scan3A_809 : i32 to index
      %get3A_871 = arith.constant 96 : index
      %get3A_872 = tpu.vector_load %arg11[%get3A_870, %get3A_871] {strides = array<i32>} : memref<64x128xf32, #tpu.memory_space<vmem>>, vector<1x16xf32>,
      %get3A_873 = vector.shape_cast %get3A_872 : vector<1x16xf32> to vector<16xf32>
      %get3A_874 = arith.index_cast %scan3A_809 : i32 to index
      %get3A_875 = arith.constant 96 : index
      %get3A_876 = tpu.vector_load %arg12[%get3A_874, %get3A_875] {strides = array<i32>} : memref<64x128xf32, #tpu.memory_space<vmem>>, vector<1x16xf32>,
      %get3A_877 = vector.shape_cast %get3A_876 : vector<1x16xf32> to vector<16xf32>
      %add3A_878 = arith.addf %get3A_873, %get3A_877 : vector<16xf32>
      %add3A_879 = arith.addf %add3A_878, %get3A_113 : vector<16xf32>
      %get3A_880 = arith.index_cast %scan3A_809 : i32 to index
      %get3A_881 = arith.constant 112 : index
      %get3A_882 = tpu.vector_load %arg11[%get3A_880, %get3A_881] {strides = array<i32>} : memref<64x128xf32, #tpu.memory_space<vmem>>, vector<1x16xf32>,
      %get3A_883 = vector.shape_cast %get3A_882 : vector<1x16xf32> to vector<16xf32>
      %get3A_884 = arith.index_cast %scan3A_809 : i32 to index
      %get3A_885 = arith.constant 112 : index
      %get3A_886 = tpu.vector_load %arg12[%get3A_884, %get3A_885] {strides = array<i32>} : memref<64x128xf32, #tpu.memory_space<vmem>>, vector<1x16xf32>,
      %get3A_887 = vector.shape_cast %get3A_886 : vector<1x16xf32> to vector<16xf32>
      %add3A_888 = arith.addf %get3A_883, %get3A_887 : vector<16xf32>
      %add3A_889 = arith.addf %add3A_888, %get3A_118 : vector<16xf32>
      %mul3A_890 = arith.mulf %add3A_819, %add3A_819 : vector<16xf32>
      %mul3A_891 = arith.mulf %add3A_829, %add3A_829 : vector<16xf32>
      %mul3A_892 = arith.mulf %add3A_839, %add3A_839 : vector<16xf32>
      %mul3A_893 = arith.mulf %add3A_849, %add3A_849 : vector<16xf32>
      %mul3A_894 = arith.mulf %add3A_859, %add3A_859 : vector<16xf32>
      %mul3A_895 = arith.mulf %add3A_869, %add3A_869 : vector<16xf32>
      %mul3A_896 = arith.mulf %add3A_879, %add3A_879 : vector<16xf32>
      %mul3A_897 = arith.mulf %add3A_889, %add3A_889 : vector<16xf32>
      %add3A_898 = arith.addf %add3A_819, %add3A_829 : vector<16xf32>
      %add3A_899 = arith.addf %add3A_839, %add3A_849 : vector<16xf32>
      %add3A_900 = arith.addf %add3A_898, %add3A_899 : vector<16xf32>
      %add3A_901 = arith.addf %add3A_859, %add3A_869 : vector<16xf32>
      %add3A_902 = arith.addf %add3A_879, %add3A_889 : vector<16xf32>
      %add3A_903 = arith.addf %add3A_901, %add3A_902 : vector<16xf32>
      %add3A_904 = arith.addf %mul3A_890, %mul3A_891 : vector<16xf32>
      %add3A_905 = arith.addf %mul3A_892, %mul3A_893 : vector<16xf32>
      %add3A_906 = arith.addf %add3A_904, %add3A_905 : vector<16xf32>
      %add3A_907 = arith.addf %mul3A_894, %mul3A_895 : vector<16xf32>
      %add3A_908 = arith.addf %mul3A_896, %mul3A_897 : vector<16xf32>
      %add3A_909 = arith.addf %add3A_907, %add3A_908 : vector<16xf32>
      %add3A_910 = arith.addf %add3A_900, %add3A_903 : vector<16xf32>
      %lt3A_911 = arith.constant 0 : i32
      %lt3A_912 = vector.broadcast %lt3A_911 : i32 to vector<16xi32>
      %lt3A_913 = arith.cmpi slt, %xor3A_170, %lt3A_912 : vector<16xi32>
      %add3A_914 = arith.constant 16 : i32
      %add3A_915 = vector.broadcast %add3A_914 : i32 to vector<16xi32>
      %add3A_916 = arith.addi %xor3A_170, %add3A_915 : vector<16xi32>
      %select_n3A_917 = arith.select %lt3A_913, %add3A_916, %xor3A_170 : vector<16xi1>, vector<16xi32>
      %broadcast_in_dim3A_918 = vector.shape_cast %select_n3A_917 : vector<16xi32> to vector<16x1xi32>
      %gather3A_919 = vector.shape_cast %broadcast_in_dim3A_918 : vector<16x1xi32> to vector<16xi32>
      %gather3A_920 = tpu.dynamic_gather %add3A_910[%gather3A_919] in [0] : vector<16xf32>, vector<16xi32> -> vector<16xf32>
      %add3A_921 = arith.addf %add3A_910, %gather3A_920 : vector<16xf32>
      %lt3A_922 = arith.constant 0 : i32
      %lt3A_923 = vector.broadcast %lt3A_922 : i32 to vector<16xi32>
      %lt3A_924 = arith.cmpi slt, %xor3A_173, %lt3A_923 : vector<16xi32>
      %add3A_925 = arith.constant 16 : i32
      %add3A_926 = vector.broadcast %add3A_925 : i32 to vector<16xi32>
      %add3A_927 = arith.addi %xor3A_173, %add3A_926 : vector<16xi32>
      %select_n3A_928 = arith.select %lt3A_924, %add3A_927, %xor3A_173 : vector<16xi1>, vector<16xi32>
      %broadcast_in_dim3A_929 = vector.shape_cast %select_n3A_928 : vector<16xi32> to vector<16x1xi32>
      %gather3A_930 = vector.shape_cast %broadcast_in_dim3A_929 : vector<16x1xi32> to vector<16xi32>
      %gather3A_931 = tpu.dynamic_gather %add3A_921[%gather3A_930] in [0] : vector<16xf32>, vector<16xi32> -> vector<16xf32>
      %add3A_932 = arith.addf %add3A_921, %gather3A_931 : vector<16xf32>
      %lt3A_933 = arith.constant 0 : i32
      %lt3A_934 = vector.broadcast %lt3A_933 : i32 to vector<16xi32>
      %lt3A_935 = arith.cmpi slt, %xor3A_176, %lt3A_934 : vector<16xi32>
      %add3A_936 = arith.constant 16 : i32
      %add3A_937 = vector.broadcast %add3A_936 : i32 to vector<16xi32>
      %add3A_938 = arith.addi %xor3A_176, %add3A_937 : vector<16xi32>
      %select_n3A_939 = arith.select %lt3A_935, %add3A_938, %xor3A_176 : vector<16xi1>, vector<16xi32>
      %broadcast_in_dim3A_940 = vector.shape_cast %select_n3A_939 : vector<16xi32> to vector<16x1xi32>
      %gather3A_941 = vector.shape_cast %broadcast_in_dim3A_940 : vector<16x1xi32> to vector<16xi32>
      %gather3A_942 = tpu.dynamic_gather %add3A_932[%gather3A_941] in [0] : vector<16xf32>, vector<16xi32> -> vector<16xf32>
      %add3A_943 = arith.addf %add3A_932, %gather3A_942 : vector<16xf32>
      %lt3A_944 = arith.constant 0 : i32
      %lt3A_945 = vector.broadcast %lt3A_944 : i32 to vector<16xi32>
      %lt3A_946 = arith.cmpi slt, %xor3A_179, %lt3A_945 : vector<16xi32>
      %add3A_947 = arith.constant 16 : i32
      %add3A_948 = vector.broadcast %add3A_947 : i32 to vector<16xi32>
      %add3A_949 = arith.addi %xor3A_179, %add3A_948 : vector<16xi32>
      %select_n3A_950 = arith.select %lt3A_946, %add3A_949, %xor3A_179 : vector<16xi1>, vector<16xi32>
      %broadcast_in_dim3A_951 = vector.shape_cast %select_n3A_950 : vector<16xi32> to vector<16x1xi32>
      %gather3A_952 = vector.shape_cast %broadcast_in_dim3A_951 : vector<16x1xi32> to vector<16xi32>
      %gather3A_953 = tpu.dynamic_gather %add3A_943[%gather3A_952] in [0] : vector<16xf32>, vector<16xi32> -> vector<16xf32>
      %add3A_954 = arith.addf %add3A_943, %gather3A_953 : vector<16xf32>
      %mul3A_955 = vector.broadcast %scan3A_180 : f32 to vector<16xf32>
      %mul3A_956 = arith.mulf %add3A_954, %mul3A_955 : vector<16xf32>
      %add3A_957 = arith.addf %add3A_906, %add3A_909 : vector<16xf32>
      %lt3A_958 = arith.constant 0 : i32
      %lt3A_959 = vector.broadcast %lt3A_958 : i32 to vector<16xi32>
      %lt3A_960 = arith.cmpi slt, %xor3A_170, %lt3A_959 : vector<16xi32>
      %add3A_961 = arith.constant 16 : i32
      %add3A_962 = vector.broadcast %add3A_961 : i32 to vector<16xi32>
      %add3A_963 = arith.addi %xor3A_170, %add3A_962 : vector<16xi32>
      %select_n3A_964 = arith.select %lt3A_960, %add3A_963, %xor3A_170 : vector<16xi1>, vector<16xi32>
      %broadcast_in_dim3A_965 = vector.shape_cast %select_n3A_964 : vector<16xi32> to vector<16x1xi32>
      %gather3A_966 = vector.shape_cast %broadcast_in_dim3A_965 : vector<16x1xi32> to vector<16xi32>
      %gather3A_967 = tpu.dynamic_gather %add3A_957[%gather3A_966] in [0] : vector<16xf32>, vector<16xi32> -> vector<16xf32>
      %add3A_968 = arith.addf %add3A_957, %gather3A_967 : vector<16xf32>
      %lt3A_969 = arith.constant 0 : i32
      %lt3A_970 = vector.broadcast %lt3A_969 : i32 to vector<16xi32>
      %lt3A_971 = arith.cmpi slt, %xor3A_173, %lt3A_970 : vector<16xi32>
      %add3A_972 = arith.constant 16 : i32
      %add3A_973 = vector.broadcast %add3A_972 : i32 to vector<16xi32>
      %add3A_974 = arith.addi %xor3A_173, %add3A_973 : vector<16xi32>
      %select_n3A_975 = arith.select %lt3A_971, %add3A_974, %xor3A_173 : vector<16xi1>, vector<16xi32>
      %broadcast_in_dim3A_976 = vector.shape_cast %select_n3A_975 : vector<16xi32> to vector<16x1xi32>
      %gather3A_977 = vector.shape_cast %broadcast_in_dim3A_976 : vector<16x1xi32> to vector<16xi32>
      %gather3A_978 = tpu.dynamic_gather %add3A_968[%gather3A_977] in [0] : vector<16xf32>, vector<16xi32> -> vector<16xf32>
      %add3A_979 = arith.addf %add3A_968, %gather3A_978 : vector<16xf32>
      %lt3A_980 = arith.constant 0 : i32
      %lt3A_981 = vector.broadcast %lt3A_980 : i32 to vector<16xi32>
      %lt3A_982 = arith.cmpi slt, %xor3A_176, %lt3A_981 : vector<16xi32>
      %add3A_983 = arith.constant 16 : i32
      %add3A_984 = vector.broadcast %add3A_983 : i32 to vector<16xi32>
      %add3A_985 = arith.addi %xor3A_176, %add3A_984 : vector<16xi32>
      %select_n3A_986 = arith.select %lt3A_982, %add3A_985, %xor3A_176 : vector<16xi1>, vector<16xi32>
      %broadcast_in_dim3A_987 = vector.shape_cast %select_n3A_986 : vector<16xi32> to vector<16x1xi32>
      %gather3A_988 = vector.shape_cast %broadcast_in_dim3A_987 : vector<16x1xi32> to vector<16xi32>
      %gather3A_989 = tpu.dynamic_gather %add3A_979[%gather3A_988] in [0] : vector<16xf32>, vector<16xi32> -> vector<16xf32>
      %add3A_990 = arith.addf %add3A_979, %gather3A_989 : vector<16xf32>
      %lt3A_991 = arith.constant 0 : i32
      %lt3A_992 = vector.broadcast %lt3A_991 : i32 to vector<16xi32>
      %lt3A_993 = arith.cmpi slt, %xor3A_179, %lt3A_992 : vector<16xi32>
      %add3A_994 = arith.constant 16 : i32
      %add3A_995 = vector.broadcast %add3A_994 : i32 to vector<16xi32>
      %add3A_996 = arith.addi %xor3A_179, %add3A_995 : vector<16xi32>
      %select_n3A_997 = arith.select %lt3A_993, %add3A_996, %xor3A_179 : vector<16xi1>, vector<16xi32>
      %broadcast_in_dim3A_998 = vector.shape_cast %select_n3A_997 : vector<16xi32> to vector<16x1xi32>
      %gather3A_999 = vector.shape_cast %broadcast_in_dim3A_998 : vector<16x1xi32> to vector<16xi32>
      %gather3A_1000 = tpu.dynamic_gather %add3A_990[%gather3A_999] in [0] : vector<16xf32>, vector<16xi32> -> vector<16xf32>
      %add3A_1001 = arith.addf %add3A_990, %gather3A_1000 : vector<16xf32>
      %mul3A_1002 = vector.broadcast %scan3A_180 : f32 to vector<16xf32>
      %mul3A_1003 = arith.mulf %add3A_1001, %mul3A_1002 : vector<16xf32>
      %mul3A_1004 = arith.mulf %mul3A_956, %mul3A_956 : vector<16xf32>
      %sub3A_1005 = arith.subf %mul3A_1003, %mul3A_1004 : vector<16xf32>
      %add3A_1006 = arith.constant 9.99999974E-6 : f32
      %add3A_1007 = vector.broadcast %add3A_1006 : f32 to vector<16xf32>
      %add3A_1008 = arith.addf %sub3A_1005, %add3A_1007 : vector<16xf32>
      %bitcast_convert_type3A_1009 = tpu.bitcast %add3A_1008 : vector<16xf32> -> vector<16xi32>
      %shift_right_logical3A_1010 = arith.constant 1 : i32
      %shift_right_logical3A_1011 = vector.broadcast %shift_right_logical3A_1010 : i32 to vector<16xi32>
      %shift_right_logical3A_1012 = arith.shrui %bitcast_convert_type3A_1009, %shift_right_logical3A_1011 : vector<16xi32>
      %sub3A_1013 = arith.constant 1597463007 : i32
      %sub3A_1014 = vector.broadcast %sub3A_1013 : i32 to vector<16xi32>
      %sub3A_1015 = arith.subi %sub3A_1014, %shift_right_logical3A_1012 : vector<16xi32>
      %bitcast_convert_type3A_1016 = tpu.bitcast %sub3A_1015 : vector<16xi32> -> vector<16xf32>
      %mul3A_1017 = arith.constant 5.000000e-01 : f32
      %mul3A_1018 = vector.broadcast %mul3A_1017 : f32 to vector<16xf32>
      %mul3A_1019 = arith.mulf %add3A_1008, %mul3A_1018 : vector<16xf32>
      %mul3A_1020 = arith.mulf %mul3A_1019, %bitcast_convert_type3A_1016 : vector<16xf32>
      %mul3A_1021 = arith.mulf %mul3A_1020, %bitcast_convert_type3A_1016 : vector<16xf32>
      %sub3A_1022 = arith.constant 1.500000e+00 : f32
      %sub3A_1023 = vector.broadcast %sub3A_1022 : f32 to vector<16xf32>
      %sub3A_1024 = arith.subf %sub3A_1023, %mul3A_1021 : vector<16xf32>
      %mul3A_1025 = arith.mulf %bitcast_convert_type3A_1016, %sub3A_1024 : vector<16xf32>
      %mul3A_1026 = arith.mulf %mul3A_1019, %mul3A_1025 : vector<16xf32>
      %mul3A_1027 = arith.mulf %mul3A_1026, %mul3A_1025 : vector<16xf32>
      %sub3A_1028 = arith.constant 1.500000e+00 : f32
      %sub3A_1029 = vector.broadcast %sub3A_1028 : f32 to vector<16xf32>
      %sub3A_1030 = arith.subf %sub3A_1029, %mul3A_1027 : vector<16xf32>
      %mul3A_1031 = arith.mulf %mul3A_1025, %sub3A_1030 : vector<16xf32>
      %mul3A_1032 = arith.mulf %mul3A_1019, %mul3A_1031 : vector<16xf32>
      %mul3A_1033 = arith.mulf %mul3A_1032, %mul3A_1031 : vector<16xf32>
      %sub3A_1034 = arith.constant 1.500000e+00 : f32
      %sub3A_1035 = vector.broadcast %sub3A_1034 : f32 to vector<16xf32>
      %sub3A_1036 = arith.subf %sub3A_1035, %mul3A_1033 : vector<16xf32>
      %mul3A_1037 = arith.mulf %mul3A_1031, %sub3A_1036 : vector<16xf32>
      %mul3A_1038 = arith.mulf %mul3A_956, %mul3A_1037 : vector<16xf32>
      %neg3A_1039 = arith.constant 0.000000e+00 : f32
      %neg3A_1040 = vector.broadcast %neg3A_1039 : f32 to vector<16xf32>
      %neg3A_1041 = arith.subf %neg3A_1040, %mul3A_1038 : vector<16xf32>
      %mul3A_1042 = arith.mulf %mul3A_1037, %get3A_121 : vector<16xf32>
      %mul3A_1043 = arith.mulf %neg3A_1041, %get3A_121 : vector<16xf32>
      %add3A_1044 = arith.addf %mul3A_1043, %get3A_145 : vector<16xf32>
      %mul3A_1045 = arith.mulf %add3A_819, %mul3A_1042 : vector<16xf32>
      %add3A_1046 = arith.addf %mul3A_1045, %add3A_1044 : vector<16xf32>
      %swap3A_1047 = arith.index_cast %scan3A_809 : i32 to index
      %swap3A_1048 = arith.constant 0 : index
      %swap3A_1049 = tpu.vector_load %arg11[%swap3A_1047, %swap3A_1048] {strides = array<i32>} : memref<64x128xf32, #tpu.memory_space<vmem>>, vector<1x16xf32>,
      %swap3A_1050 = vector.shape_cast %swap3A_1049 : vector<1x16xf32> to vector<16xf32>
      %swap3A_1051 = vector.shape_cast %add3A_1046 : vector<16xf32> to vector<1x16xf32>
      tpu.vector_store %arg11[%swap3A_1047, %swap3A_1048], %swap3A_1051 {strides = array<i32>} : memref<64x128xf32, #tpu.memory_space<vmem>>, vector<1x16xf32>,
      %mul3A_1052 = arith.mulf %mul3A_1037, %get3A_124 : vector<16xf32>
      %mul3A_1053 = arith.mulf %neg3A_1041, %get3A_124 : vector<16xf32>
      %add3A_1054 = arith.addf %mul3A_1053, %get3A_148 : vector<16xf32>
      %mul3A_1055 = arith.mulf %add3A_829, %mul3A_1052 : vector<16xf32>
      %add3A_1056 = arith.addf %mul3A_1055, %add3A_1054 : vector<16xf32>
      %swap3A_1057 = arith.index_cast %scan3A_809 : i32 to index
      %swap3A_1058 = arith.constant 16 : index
      %swap3A_1059 = tpu.vector_load %arg11[%swap3A_1057, %swap3A_1058] {strides = array<i32>} : memref<64x128xf32, #tpu.memory_space<vmem>>, vector<1x16xf32>,
      %swap3A_1060 = vector.shape_cast %swap3A_1059 : vector<1x16xf32> to vector<16xf32>
      %swap3A_1061 = vector.shape_cast %add3A_1056 : vector<16xf32> to vector<1x16xf32>
      tpu.vector_store %arg11[%swap3A_1057, %swap3A_1058], %swap3A_1061 {strides = array<i32>} : memref<64x128xf32, #tpu.memory_space<vmem>>, vector<1x16xf32>,
      %mul3A_1062 = arith.mulf %mul3A_1037, %get3A_127 : vector<16xf32>
      %mul3A_1063 = arith.mulf %neg3A_1041, %get3A_127 : vector<16xf32>
      %add3A_1064 = arith.addf %mul3A_1063, %get3A_151 : vector<16xf32>
      %mul3A_1065 = arith.mulf %add3A_839, %mul3A_1062 : vector<16xf32>
      %add3A_1066 = arith.addf %mul3A_1065, %add3A_1064 : vector<16xf32>
      %swap3A_1067 = arith.index_cast %scan3A_809 : i32 to index
      %swap3A_1068 = arith.constant 32 : index
      %swap3A_1069 = tpu.vector_load %arg11[%swap3A_1067, %swap3A_1068] {strides = array<i32>} : memref<64x128xf32, #tpu.memory_space<vmem>>, vector<1x16xf32>,
      %swap3A_1070 = vector.shape_cast %swap3A_1069 : vector<1x16xf32> to vector<16xf32>
      %swap3A_1071 = vector.shape_cast %add3A_1066 : vector<16xf32> to vector<1x16xf32>
      tpu.vector_store %arg11[%swap3A_1067, %swap3A_1068], %swap3A_1071 {strides = array<i32>} : memref<64x128xf32, #tpu.memory_space<vmem>>, vector<1x16xf32>,
      %mul3A_1072 = arith.mulf %mul3A_1037, %get3A_130 : vector<16xf32>
      %mul3A_1073 = arith.mulf %neg3A_1041, %get3A_130 : vector<16xf32>
      %add3A_1074 = arith.addf %mul3A_1073, %get3A_154 : vector<16xf32>
      %mul3A_1075 = arith.mulf %add3A_849, %mul3A_1072 : vector<16xf32>
      %add3A_1076 = arith.addf %mul3A_1075, %add3A_1074 : vector<16xf32>
      %swap3A_1077 = arith.index_cast %scan3A_809 : i32 to index
      %swap3A_1078 = arith.constant 48 : index
      %swap3A_1079 = tpu.vector_load %arg11[%swap3A_1077, %swap3A_1078] {strides = array<i32>} : memref<64x128xf32, #tpu.memory_space<vmem>>, vector<1x16xf32>,
      %swap3A_1080 = vector.shape_cast %swap3A_1079 : vector<1x16xf32> to vector<16xf32>
      %swap3A_1081 = vector.shape_cast %add3A_1076 : vector<16xf32> to vector<1x16xf32>
      tpu.vector_store %arg11[%swap3A_1077, %swap3A_1078], %swap3A_1081 {strides = array<i32>} : memref<64x128xf32, #tpu.memory_space<vmem>>, vector<1x16xf32>,
      %mul3A_1082 = arith.mulf %mul3A_1037, %get3A_133 : vector<16xf32>
      %mul3A_1083 = arith.mulf %neg3A_1041, %get3A_133 : vector<16xf32>
      %add3A_1084 = arith.addf %mul3A_1083, %get3A_157 : vector<16xf32>
      %mul3A_1085 = arith.mulf %add3A_859, %mul3A_1082 : vector<16xf32>
      %add3A_1086 = arith.addf %mul3A_1085, %add3A_1084 : vector<16xf32>
      %swap3A_1087 = arith.index_cast %scan3A_809 : i32 to index
      %swap3A_1088 = arith.constant 64 : index
      %swap3A_1089 = tpu.vector_load %arg11[%swap3A_1087, %swap3A_1088] {strides = array<i32>} : memref<64x128xf32, #tpu.memory_space<vmem>>, vector<1x16xf32>,
      %swap3A_1090 = vector.shape_cast %swap3A_1089 : vector<1x16xf32> to vector<16xf32>
      %swap3A_1091 = vector.shape_cast %add3A_1086 : vector<16xf32> to vector<1x16xf32>
      tpu.vector_store %arg11[%swap3A_1087, %swap3A_1088], %swap3A_1091 {strides = array<i32>} : memref<64x128xf32, #tpu.memory_space<vmem>>, vector<1x16xf32>,
      %mul3A_1092 = arith.mulf %mul3A_1037, %get3A_136 : vector<16xf32>
      %mul3A_1093 = arith.mulf %neg3A_1041, %get3A_136 : vector<16xf32>
      %add3A_1094 = arith.addf %mul3A_1093, %get3A_160 : vector<16xf32>
      %mul3A_1095 = arith.mulf %add3A_869, %mul3A_1092 : vector<16xf32>
      %add3A_1096 = arith.addf %mul3A_1095, %add3A_1094 : vector<16xf32>
      %swap3A_1097 = arith.index_cast %scan3A_809 : i32 to index
      %swap3A_1098 = arith.constant 80 : index
      %swap3A_1099 = tpu.vector_load %arg11[%swap3A_1097, %swap3A_1098] {strides = array<i32>} : memref<64x128xf32, #tpu.memory_space<vmem>>, vector<1x16xf32>,
      %swap3A_1100 = vector.shape_cast %swap3A_1099 : vector<1x16xf32> to vector<16xf32>
      %swap3A_1101 = vector.shape_cast %add3A_1096 : vector<16xf32> to vector<1x16xf32>
      tpu.vector_store %arg11[%swap3A_1097, %swap3A_1098], %swap3A_1101 {strides = array<i32>} : memref<64x128xf32, #tpu.memory_space<vmem>>, vector<1x16xf32>,
      %mul3A_1102 = arith.mulf %mul3A_1037, %get3A_139 : vector<16xf32>
      %mul3A_1103 = arith.mulf %neg3A_1041, %get3A_139 : vector<16xf32>
      %add3A_1104 = arith.addf %mul3A_1103, %get3A_163 : vector<16xf32>
      %mul3A_1105 = arith.mulf %add3A_879, %mul3A_1102 : vector<16xf32>
      %add3A_1106 = arith.addf %mul3A_1105, %add3A_1104 : vector<16xf32>
      %swap3A_1107 = arith.index_cast %scan3A_809 : i32 to index
      %swap3A_1108 = arith.constant 96 : index
      %swap3A_1109 = tpu.vector_load %arg11[%swap3A_1107, %swap3A_1108] {strides = array<i32>} : memref<64x128xf32, #tpu.memory_space<vmem>>, vector<1x16xf32>,
      %swap3A_1110 = vector.shape_cast %swap3A_1109 : vector<1x16xf32> to vector<16xf32>
      %swap3A_1111 = vector.shape_cast %add3A_1106 : vector<16xf32> to vector<1x16xf32>
      tpu.vector_store %arg11[%swap3A_1107, %swap3A_1108], %swap3A_1111 {strides = array<i32>} : memref<64x128xf32, #tpu.memory_space<vmem>>, vector<1x16xf32>,
      %mul3A_1112 = arith.mulf %mul3A_1037, %get3A_142 : vector<16xf32>
      %mul3A_1113 = arith.mulf %neg3A_1041, %get3A_142 : vector<16xf32>
      %add3A_1114 = arith.addf %mul3A_1113, %get3A_166 : vector<16xf32>
      %mul3A_1115 = arith.mulf %add3A_889, %mul3A_1112 : vector<16xf32>
      %add3A_1116 = arith.addf %mul3A_1115, %add3A_1114 : vector<16xf32>
      %swap3A_1117 = arith.index_cast %scan3A_809 : i32 to index
      %swap3A_1118 = arith.constant 112 : index
      %swap3A_1119 = tpu.vector_load %arg11[%swap3A_1117, %swap3A_1118] {strides = array<i32>} : memref<64x128xf32, #tpu.memory_space<vmem>>, vector<1x16xf32>,
      %swap3A_1120 = vector.shape_cast %swap3A_1119 : vector<1x16xf32> to vector<16xf32>
      %swap3A_1121 = vector.shape_cast %add3A_1116 : vector<16xf32> to vector<1x16xf32>
      tpu.vector_store %arg11[%swap3A_1117, %swap3A_1118], %swap3A_1121 {strides = array<i32>} : memref<64x128xf32, #tpu.memory_space<vmem>>, vector<1x16xf32>,
      %scan3A_1122 = arith.constant 3 : i32
      %scan3A_1123 = arith.addi %scan3A_186, %scan3A_1122 : i32
      %get3A_1124 = arith.index_cast %scan3A_1123 : i32 to index
      %get3A_1125 = arith.constant 0 : index
      %get3A_1126 = tpu.vector_load %arg11[%get3A_1124, %get3A_1125] {strides = array<i32>} : memref<64x128xf32, #tpu.memory_space<vmem>>, vector<1x16xf32>,
      %get3A_1127 = vector.shape_cast %get3A_1126 : vector<1x16xf32> to vector<16xf32>
      %get3A_1128 = arith.index_cast %scan3A_1123 : i32 to index
      %get3A_1129 = arith.constant 0 : index
      %get3A_1130 = tpu.vector_load %arg12[%get3A_1128, %get3A_1129] {strides = array<i32>} : memref<64x128xf32, #tpu.memory_space<vmem>>, vector<1x16xf32>,
      %get3A_1131 = vector.shape_cast %get3A_1130 : vector<1x16xf32> to vector<16xf32>
      %add3A_1132 = arith.addf %get3A_1127, %get3A_1131 : vector<16xf32>
      %add3A_1133 = arith.addf %add3A_1132, %get3A_83 : vector<16xf32>
      %get3A_1134 = arith.index_cast %scan3A_1123 : i32 to index
      %get3A_1135 = arith.constant 16 : index
      %get3A_1136 = tpu.vector_load %arg11[%get3A_1134, %get3A_1135] {strides = array<i32>} : memref<64x128xf32, #tpu.memory_space<vmem>>, vector<1x16xf32>,
      %get3A_1137 = vector.shape_cast %get3A_1136 : vector<1x16xf32> to vector<16xf32>
      %get3A_1138 = arith.index_cast %scan3A_1123 : i32 to index
      %get3A_1139 = arith.constant 16 : index
      %get3A_1140 = tpu.vector_load %arg12[%get3A_1138, %get3A_1139] {strides = array<i32>} : memref<64x128xf32, #tpu.memory_space<vmem>>, vector<1x16xf32>,
      %get3A_1141 = vector.shape_cast %get3A_1140 : vector<1x16xf32> to vector<16xf32>
      %add3A_1142 = arith.addf %get3A_1137, %get3A_1141 : vector<16xf32>
      %add3A_1143 = arith.addf %add3A_1142, %get3A_88 : vector<16xf32>
      %get3A_1144 = arith.index_cast %scan3A_1123 : i32 to index
      %get3A_1145 = arith.constant 32 : index
      %get3A_1146 = tpu.vector_load %arg11[%get3A_1144, %get3A_1145] {strides = array<i32>} : memref<64x128xf32, #tpu.memory_space<vmem>>, vector<1x16xf32>,
      %get3A_1147 = vector.shape_cast %get3A_1146 : vector<1x16xf32> to vector<16xf32>
      %get3A_1148 = arith.index_cast %scan3A_1123 : i32 to index
      %get3A_1149 = arith.constant 32 : index
      %get3A_1150 = tpu.vector_load %arg12[%get3A_1148, %get3A_1149] {strides = array<i32>} : memref<64x128xf32, #tpu.memory_space<vmem>>, vector<1x16xf32>,
      %get3A_1151 = vector.shape_cast %get3A_1150 : vector<1x16xf32> to vector<16xf32>
      %add3A_1152 = arith.addf %get3A_1147, %get3A_1151 : vector<16xf32>
      %add3A_1153 = arith.addf %add3A_1152, %get3A_93 : vector<16xf32>
      %get3A_1154 = arith.index_cast %scan3A_1123 : i32 to index
      %get3A_1155 = arith.constant 48 : index
      %get3A_1156 = tpu.vector_load %arg11[%get3A_1154, %get3A_1155] {strides = array<i32>} : memref<64x128xf32, #tpu.memory_space<vmem>>, vector<1x16xf32>,
      %get3A_1157 = vector.shape_cast %get3A_1156 : vector<1x16xf32> to vector<16xf32>
      %get3A_1158 = arith.index_cast %scan3A_1123 : i32 to index
      %get3A_1159 = arith.constant 48 : index
      %get3A_1160 = tpu.vector_load %arg12[%get3A_1158, %get3A_1159] {strides = array<i32>} : memref<64x128xf32, #tpu.memory_space<vmem>>, vector<1x16xf32>,
      %get3A_1161 = vector.shape_cast %get3A_1160 : vector<1x16xf32> to vector<16xf32>
      %add3A_1162 = arith.addf %get3A_1157, %get3A_1161 : vector<16xf32>
      %add3A_1163 = arith.addf %add3A_1162, %get3A_98 : vector<16xf32>
      %get3A_1164 = arith.index_cast %scan3A_1123 : i32 to index
      %get3A_1165 = arith.constant 64 : index
      %get3A_1166 = tpu.vector_load %arg11[%get3A_1164, %get3A_1165] {strides = array<i32>} : memref<64x128xf32, #tpu.memory_space<vmem>>, vector<1x16xf32>,
      %get3A_1167 = vector.shape_cast %get3A_1166 : vector<1x16xf32> to vector<16xf32>
      %get3A_1168 = arith.index_cast %scan3A_1123 : i32 to index
      %get3A_1169 = arith.constant 64 : index
      %get3A_1170 = tpu.vector_load %arg12[%get3A_1168, %get3A_1169] {strides = array<i32>} : memref<64x128xf32, #tpu.memory_space<vmem>>, vector<1x16xf32>,
      %get3A_1171 = vector.shape_cast %get3A_1170 : vector<1x16xf32> to vector<16xf32>
      %add3A_1172 = arith.addf %get3A_1167, %get3A_1171 : vector<16xf32>
      %add3A_1173 = arith.addf %add3A_1172, %get3A_103 : vector<16xf32>
      %get3A_1174 = arith.index_cast %scan3A_1123 : i32 to index
      %get3A_1175 = arith.constant 80 : index
      %get3A_1176 = tpu.vector_load %arg11[%get3A_1174, %get3A_1175] {strides = array<i32>} : memref<64x128xf32, #tpu.memory_space<vmem>>, vector<1x16xf32>,
      %get3A_1177 = vector.shape_cast %get3A_1176 : vector<1x16xf32> to vector<16xf32>
      %get3A_1178 = arith.index_cast %scan3A_1123 : i32 to index
      %get3A_1179 = arith.constant 80 : index
      %get3A_1180 = tpu.vector_load %arg12[%get3A_1178, %get3A_1179] {strides = array<i32>} : memref<64x128xf32, #tpu.memory_space<vmem>>, vector<1x16xf32>,
      %get3A_1181 = vector.shape_cast %get3A_1180 : vector<1x16xf32> to vector<16xf32>
      %add3A_1182 = arith.addf %get3A_1177, %get3A_1181 : vector<16xf32>
      %add3A_1183 = arith.addf %add3A_1182, %get3A_108 : vector<16xf32>
      %get3A_1184 = arith.index_cast %scan3A_1123 : i32 to index
      %get3A_1185 = arith.constant 96 : index
      %get3A_1186 = tpu.vector_load %arg11[%get3A_1184, %get3A_1185] {strides = array<i32>} : memref<64x128xf32, #tpu.memory_space<vmem>>, vector<1x16xf32>,
      %get3A_1187 = vector.shape_cast %get3A_1186 : vector<1x16xf32> to vector<16xf32>
      %get3A_1188 = arith.index_cast %scan3A_1123 : i32 to index
      %get3A_1189 = arith.constant 96 : index
      %get3A_1190 = tpu.vector_load %arg12[%get3A_1188, %get3A_1189] {strides = array<i32>} : memref<64x128xf32, #tpu.memory_space<vmem>>, vector<1x16xf32>,
      %get3A_1191 = vector.shape_cast %get3A_1190 : vector<1x16xf32> to vector<16xf32>
      %add3A_1192 = arith.addf %get3A_1187, %get3A_1191 : vector<16xf32>
      %add3A_1193 = arith.addf %add3A_1192, %get3A_113 : vector<16xf32>
      %get3A_1194 = arith.index_cast %scan3A_1123 : i32 to index
      %get3A_1195 = arith.constant 112 : index
      %get3A_1196 = tpu.vector_load %arg11[%get3A_1194, %get3A_1195] {strides = array<i32>} : memref<64x128xf32, #tpu.memory_space<vmem>>, vector<1x16xf32>,
      %get3A_1197 = vector.shape_cast %get3A_1196 : vector<1x16xf32> to vector<16xf32>
      %get3A_1198 = arith.index_cast %scan3A_1123 : i32 to index
      %get3A_1199 = arith.constant 112 : index
      %get3A_1200 = tpu.vector_load %arg12[%get3A_1198, %get3A_1199] {strides = array<i32>} : memref<64x128xf32, #tpu.memory_space<vmem>>, vector<1x16xf32>,
      %get3A_1201 = vector.shape_cast %get3A_1200 : vector<1x16xf32> to vector<16xf32>
      %add3A_1202 = arith.addf %get3A_1197, %get3A_1201 : vector<16xf32>
      %add3A_1203 = arith.addf %add3A_1202, %get3A_118 : vector<16xf32>
      %mul3A_1204 = arith.mulf %add3A_1133, %add3A_1133 : vector<16xf32>
      %mul3A_1205 = arith.mulf %add3A_1143, %add3A_1143 : vector<16xf32>
      %mul3A_1206 = arith.mulf %add3A_1153, %add3A_1153 : vector<16xf32>
      %mul3A_1207 = arith.mulf %add3A_1163, %add3A_1163 : vector<16xf32>
      %mul3A_1208 = arith.mulf %add3A_1173, %add3A_1173 : vector<16xf32>
      %mul3A_1209 = arith.mulf %add3A_1183, %add3A_1183 : vector<16xf32>
      %mul3A_1210 = arith.mulf %add3A_1193, %add3A_1193 : vector<16xf32>
      %mul3A_1211 = arith.mulf %add3A_1203, %add3A_1203 : vector<16xf32>
      %add3A_1212 = arith.addf %add3A_1133, %add3A_1143 : vector<16xf32>
      %add3A_1213 = arith.addf %add3A_1153, %add3A_1163 : vector<16xf32>
      %add3A_1214 = arith.addf %add3A_1212, %add3A_1213 : vector<16xf32>
      %add3A_1215 = arith.addf %add3A_1173, %add3A_1183 : vector<16xf32>
      %add3A_1216 = arith.addf %add3A_1193, %add3A_1203 : vector<16xf32>
      %add3A_1217 = arith.addf %add3A_1215, %add3A_1216 : vector<16xf32>
      %add3A_1218 = arith.addf %mul3A_1204, %mul3A_1205 : vector<16xf32>
      %add3A_1219 = arith.addf %mul3A_1206, %mul3A_1207 : vector<16xf32>
      %add3A_1220 = arith.addf %add3A_1218, %add3A_1219 : vector<16xf32>
      %add3A_1221 = arith.addf %mul3A_1208, %mul3A_1209 : vector<16xf32>
      %add3A_1222 = arith.addf %mul3A_1210, %mul3A_1211 : vector<16xf32>
      %add3A_1223 = arith.addf %add3A_1221, %add3A_1222 : vector<16xf32>
      %add3A_1224 = arith.addf %add3A_1214, %add3A_1217 : vector<16xf32>
      %lt3A_1225 = arith.constant 0 : i32
      %lt3A_1226 = vector.broadcast %lt3A_1225 : i32 to vector<16xi32>
      %lt3A_1227 = arith.cmpi slt, %xor3A_170, %lt3A_1226 : vector<16xi32>
      %add3A_1228 = arith.constant 16 : i32
      %add3A_1229 = vector.broadcast %add3A_1228 : i32 to vector<16xi32>
      %add3A_1230 = arith.addi %xor3A_170, %add3A_1229 : vector<16xi32>
      %select_n3A_1231 = arith.select %lt3A_1227, %add3A_1230, %xor3A_170 : vector<16xi1>, vector<16xi32>
      %broadcast_in_dim3A_1232 = vector.shape_cast %select_n3A_1231 : vector<16xi32> to vector<16x1xi32>
      %gather3A_1233 = vector.shape_cast %broadcast_in_dim3A_1232 : vector<16x1xi32> to vector<16xi32>
      %gather3A_1234 = tpu.dynamic_gather %add3A_1224[%gather3A_1233] in [0] : vector<16xf32>, vector<16xi32> -> vector<16xf32>
      %add3A_1235 = arith.addf %add3A_1224, %gather3A_1234 : vector<16xf32>
      %lt3A_1236 = arith.constant 0 : i32
      %lt3A_1237 = vector.broadcast %lt3A_1236 : i32 to vector<16xi32>
      %lt3A_1238 = arith.cmpi slt, %xor3A_173, %lt3A_1237 : vector<16xi32>
      %add3A_1239 = arith.constant 16 : i32
      %add3A_1240 = vector.broadcast %add3A_1239 : i32 to vector<16xi32>
      %add3A_1241 = arith.addi %xor3A_173, %add3A_1240 : vector<16xi32>
      %select_n3A_1242 = arith.select %lt3A_1238, %add3A_1241, %xor3A_173 : vector<16xi1>, vector<16xi32>
      %broadcast_in_dim3A_1243 = vector.shape_cast %select_n3A_1242 : vector<16xi32> to vector<16x1xi32>
      %gather3A_1244 = vector.shape_cast %broadcast_in_dim3A_1243 : vector<16x1xi32> to vector<16xi32>
      %gather3A_1245 = tpu.dynamic_gather %add3A_1235[%gather3A_1244] in [0] : vector<16xf32>, vector<16xi32> -> vector<16xf32>
      %add3A_1246 = arith.addf %add3A_1235, %gather3A_1245 : vector<16xf32>
      %lt3A_1247 = arith.constant 0 : i32
      %lt3A_1248 = vector.broadcast %lt3A_1247 : i32 to vector<16xi32>
      %lt3A_1249 = arith.cmpi slt, %xor3A_176, %lt3A_1248 : vector<16xi32>
      %add3A_1250 = arith.constant 16 : i32
      %add3A_1251 = vector.broadcast %add3A_1250 : i32 to vector<16xi32>
      %add3A_1252 = arith.addi %xor3A_176, %add3A_1251 : vector<16xi32>
      %select_n3A_1253 = arith.select %lt3A_1249, %add3A_1252, %xor3A_176 : vector<16xi1>, vector<16xi32>
      %broadcast_in_dim3A_1254 = vector.shape_cast %select_n3A_1253 : vector<16xi32> to vector<16x1xi32>
      %gather3A_1255 = vector.shape_cast %broadcast_in_dim3A_1254 : vector<16x1xi32> to vector<16xi32>
      %gather3A_1256 = tpu.dynamic_gather %add3A_1246[%gather3A_1255] in [0] : vector<16xf32>, vector<16xi32> -> vector<16xf32>
      %add3A_1257 = arith.addf %add3A_1246, %gather3A_1256 : vector<16xf32>
      %lt3A_1258 = arith.constant 0 : i32
      %lt3A_1259 = vector.broadcast %lt3A_1258 : i32 to vector<16xi32>
      %lt3A_1260 = arith.cmpi slt, %xor3A_179, %lt3A_1259 : vector<16xi32>
      %add3A_1261 = arith.constant 16 : i32
      %add3A_1262 = vector.broadcast %add3A_1261 : i32 to vector<16xi32>
      %add3A_1263 = arith.addi %xor3A_179, %add3A_1262 : vector<16xi32>
      %select_n3A_1264 = arith.select %lt3A_1260, %add3A_1263, %xor3A_179 : vector<16xi1>, vector<16xi32>
      %broadcast_in_dim3A_1265 = vector.shape_cast %select_n3A_1264 : vector<16xi32> to vector<16x1xi32>
      %gather3A_1266 = vector.shape_cast %broadcast_in_dim3A_1265 : vector<16x1xi32> to vector<16xi32>
      %gather3A_1267 = tpu.dynamic_gather %add3A_1257[%gather3A_1266] in [0] : vector<16xf32>, vector<16xi32> -> vector<16xf32>
      %add3A_1268 = arith.addf %add3A_1257, %gather3A_1267 : vector<16xf32>
      %mul3A_1269 = vector.broadcast %scan3A_180 : f32 to vector<16xf32>
      %mul3A_1270 = arith.mulf %add3A_1268, %mul3A_1269 : vector<16xf32>
      %add3A_1271 = arith.addf %add3A_1220, %add3A_1223 : vector<16xf32>
      %lt3A_1272 = arith.constant 0 : i32
      %lt3A_1273 = vector.broadcast %lt3A_1272 : i32 to vector<16xi32>
      %lt3A_1274 = arith.cmpi slt, %xor3A_170, %lt3A_1273 : vector<16xi32>
      %add3A_1275 = arith.constant 16 : i32
      %add3A_1276 = vector.broadcast %add3A_1275 : i32 to vector<16xi32>
      %add3A_1277 = arith.addi %xor3A_170, %add3A_1276 : vector<16xi32>
      %select_n3A_1278 = arith.select %lt3A_1274, %add3A_1277, %xor3A_170 : vector<16xi1>, vector<16xi32>
      %broadcast_in_dim3A_1279 = vector.shape_cast %select_n3A_1278 : vector<16xi32> to vector<16x1xi32>
      %gather3A_1280 = vector.shape_cast %broadcast_in_dim3A_1279 : vector<16x1xi32> to vector<16xi32>
      %gather3A_1281 = tpu.dynamic_gather %add3A_1271[%gather3A_1280] in [0] : vector<16xf32>, vector<16xi32> -> vector<16xf32>
      %add3A_1282 = arith.addf %add3A_1271, %gather3A_1281 : vector<16xf32>
      %lt3A_1283 = arith.constant 0 : i32
      %lt3A_1284 = vector.broadcast %lt3A_1283 : i32 to vector<16xi32>
      %lt3A_1285 = arith.cmpi slt, %xor3A_173, %lt3A_1284 : vector<16xi32>
      %add3A_1286 = arith.constant 16 : i32
      %add3A_1287 = vector.broadcast %add3A_1286 : i32 to vector<16xi32>
      %add3A_1288 = arith.addi %xor3A_173, %add3A_1287 : vector<16xi32>
      %select_n3A_1289 = arith.select %lt3A_1285, %add3A_1288, %xor3A_173 : vector<16xi1>, vector<16xi32>
      %broadcast_in_dim3A_1290 = vector.shape_cast %select_n3A_1289 : vector<16xi32> to vector<16x1xi32>
      %gather3A_1291 = vector.shape_cast %broadcast_in_dim3A_1290 : vector<16x1xi32> to vector<16xi32>
      %gather3A_1292 = tpu.dynamic_gather %add3A_1282[%gather3A_1291] in [0] : vector<16xf32>, vector<16xi32> -> vector<16xf32>
      %add3A_1293 = arith.addf %add3A_1282, %gather3A_1292 : vector<16xf32>
      %lt3A_1294 = arith.constant 0 : i32
      %lt3A_1295 = vector.broadcast %lt3A_1294 : i32 to vector<16xi32>
      %lt3A_1296 = arith.cmpi slt, %xor3A_176, %lt3A_1295 : vector<16xi32>
      %add3A_1297 = arith.constant 16 : i32
      %add3A_1298 = vector.broadcast %add3A_1297 : i32 to vector<16xi32>
      %add3A_1299 = arith.addi %xor3A_176, %add3A_1298 : vector<16xi32>
      %select_n3A_1300 = arith.select %lt3A_1296, %add3A_1299, %xor3A_176 : vector<16xi1>, vector<16xi32>
      %broadcast_in_dim3A_1301 = vector.shape_cast %select_n3A_1300 : vector<16xi32> to vector<16x1xi32>
      %gather3A_1302 = vector.shape_cast %broadcast_in_dim3A_1301 : vector<16x1xi32> to vector<16xi32>
      %gather3A_1303 = tpu.dynamic_gather %add3A_1293[%gather3A_1302] in [0] : vector<16xf32>, vector<16xi32> -> vector<16xf32>
      %add3A_1304 = arith.addf %add3A_1293, %gather3A_1303 : vector<16xf32>
      %lt3A_1305 = arith.constant 0 : i32
      %lt3A_1306 = vector.broadcast %lt3A_1305 : i32 to vector<16xi32>
      %lt3A_1307 = arith.cmpi slt, %xor3A_179, %lt3A_1306 : vector<16xi32>
      %add3A_1308 = arith.constant 16 : i32
      %add3A_1309 = vector.broadcast %add3A_1308 : i32 to vector<16xi32>
      %add3A_1310 = arith.addi %xor3A_179, %add3A_1309 : vector<16xi32>
      %select_n3A_1311 = arith.select %lt3A_1307, %add3A_1310, %xor3A_179 : vector<16xi1>, vector<16xi32>
      %broadcast_in_dim3A_1312 = vector.shape_cast %select_n3A_1311 : vector<16xi32> to vector<16x1xi32>
      %gather3A_1313 = vector.shape_cast %broadcast_in_dim3A_1312 : vector<16x1xi32> to vector<16xi32>
      %gather3A_1314 = tpu.dynamic_gather %add3A_1304[%gather3A_1313] in [0] : vector<16xf32>, vector<16xi32> -> vector<16xf32>
      %add3A_1315 = arith.addf %add3A_1304, %gather3A_1314 : vector<16xf32>
      %mul3A_1316 = vector.broadcast %scan3A_180 : f32 to vector<16xf32>
      %mul3A_1317 = arith.mulf %add3A_1315, %mul3A_1316 : vector<16xf32>
      %mul3A_1318 = arith.mulf %mul3A_1270, %mul3A_1270 : vector<16xf32>
      %sub3A_1319 = arith.subf %mul3A_1317, %mul3A_1318 : vector<16xf32>
      %add3A_1320 = arith.constant 9.99999974E-6 : f32
      %add3A_1321 = vector.broadcast %add3A_1320 : f32 to vector<16xf32>
      %add3A_1322 = arith.addf %sub3A_1319, %add3A_1321 : vector<16xf32>
      %bitcast_convert_type3A_1323 = tpu.bitcast %add3A_1322 : vector<16xf32> -> vector<16xi32>
      %shift_right_logical3A_1324 = arith.constant 1 : i32
      %shift_right_logical3A_1325 = vector.broadcast %shift_right_logical3A_1324 : i32 to vector<16xi32>
      %shift_right_logical3A_1326 = arith.shrui %bitcast_convert_type3A_1323, %shift_right_logical3A_1325 : vector<16xi32>
      %sub3A_1327 = arith.constant 1597463007 : i32
      %sub3A_1328 = vector.broadcast %sub3A_1327 : i32 to vector<16xi32>
      %sub3A_1329 = arith.subi %sub3A_1328, %shift_right_logical3A_1326 : vector<16xi32>
      %bitcast_convert_type3A_1330 = tpu.bitcast %sub3A_1329 : vector<16xi32> -> vector<16xf32>
      %mul3A_1331 = arith.constant 5.000000e-01 : f32
      %mul3A_1332 = vector.broadcast %mul3A_1331 : f32 to vector<16xf32>
      %mul3A_1333 = arith.mulf %add3A_1322, %mul3A_1332 : vector<16xf32>
      %mul3A_1334 = arith.mulf %mul3A_1333, %bitcast_convert_type3A_1330 : vector<16xf32>
      %mul3A_1335 = arith.mulf %mul3A_1334, %bitcast_convert_type3A_1330 : vector<16xf32>
      %sub3A_1336 = arith.constant 1.500000e+00 : f32
      %sub3A_1337 = vector.broadcast %sub3A_1336 : f32 to vector<16xf32>
      %sub3A_1338 = arith.subf %sub3A_1337, %mul3A_1335 : vector<16xf32>
      %mul3A_1339 = arith.mulf %bitcast_convert_type3A_1330, %sub3A_1338 : vector<16xf32>
      %mul3A_1340 = arith.mulf %mul3A_1333, %mul3A_1339 : vector<16xf32>
      %mul3A_1341 = arith.mulf %mul3A_1340, %mul3A_1339 : vector<16xf32>
      %sub3A_1342 = arith.constant 1.500000e+00 : f32
      %sub3A_1343 = vector.broadcast %sub3A_1342 : f32 to vector<16xf32>
      %sub3A_1344 = arith.subf %sub3A_1343, %mul3A_1341 : vector<16xf32>
      %mul3A_1345 = arith.mulf %mul3A_1339, %sub3A_1344 : vector<16xf32>
      %mul3A_1346 = arith.mulf %mul3A_1333, %mul3A_1345 : vector<16xf32>
      %mul3A_1347 = arith.mulf %mul3A_1346, %mul3A_1345 : vector<16xf32>
      %sub3A_1348 = arith.constant 1.500000e+00 : f32
      %sub3A_1349 = vector.broadcast %sub3A_1348 : f32 to vector<16xf32>
      %sub3A_1350 = arith.subf %sub3A_1349, %mul3A_1347 : vector<16xf32>
      %mul3A_1351 = arith.mulf %mul3A_1345, %sub3A_1350 : vector<16xf32>
      %mul3A_1352 = arith.mulf %mul3A_1270, %mul3A_1351 : vector<16xf32>
      %neg3A_1353 = arith.constant 0.000000e+00 : f32
      %neg3A_1354 = vector.broadcast %neg3A_1353 : f32 to vector<16xf32>
      %neg3A_1355 = arith.subf %neg3A_1354, %mul3A_1352 : vector<16xf32>
      %mul3A_1356 = arith.mulf %mul3A_1351, %get3A_121 : vector<16xf32>
      %mul3A_1357 = arith.mulf %neg3A_1355, %get3A_121 : vector<16xf32>
      %add3A_1358 = arith.addf %mul3A_1357, %get3A_145 : vector<16xf32>
      %mul3A_1359 = arith.mulf %add3A_1133, %mul3A_1356 : vector<16xf32>
      %add3A_1360 = arith.addf %mul3A_1359, %add3A_1358 : vector<16xf32>
      %swap3A_1361 = arith.index_cast %scan3A_1123 : i32 to index
      %swap3A_1362 = arith.constant 0 : index
      %swap3A_1363 = tpu.vector_load %arg11[%swap3A_1361, %swap3A_1362] {strides = array<i32>} : memref<64x128xf32, #tpu.memory_space<vmem>>, vector<1x16xf32>,
      %swap3A_1364 = vector.shape_cast %swap3A_1363 : vector<1x16xf32> to vector<16xf32>
      %swap3A_1365 = vector.shape_cast %add3A_1360 : vector<16xf32> to vector<1x16xf32>
      tpu.vector_store %arg11[%swap3A_1361, %swap3A_1362], %swap3A_1365 {strides = array<i32>} : memref<64x128xf32, #tpu.memory_space<vmem>>, vector<1x16xf32>,
      %mul3A_1366 = arith.mulf %mul3A_1351, %get3A_124 : vector<16xf32>
      %mul3A_1367 = arith.mulf %neg3A_1355, %get3A_124 : vector<16xf32>
      %add3A_1368 = arith.addf %mul3A_1367, %get3A_148 : vector<16xf32>
      %mul3A_1369 = arith.mulf %add3A_1143, %mul3A_1366 : vector<16xf32>
      %add3A_1370 = arith.addf %mul3A_1369, %add3A_1368 : vector<16xf32>
      %swap3A_1371 = arith.index_cast %scan3A_1123 : i32 to index
      %swap3A_1372 = arith.constant 16 : index
      %swap3A_1373 = tpu.vector_load %arg11[%swap3A_1371, %swap3A_1372] {strides = array<i32>} : memref<64x128xf32, #tpu.memory_space<vmem>>, vector<1x16xf32>,
      %swap3A_1374 = vector.shape_cast %swap3A_1373 : vector<1x16xf32> to vector<16xf32>
      %swap3A_1375 = vector.shape_cast %add3A_1370 : vector<16xf32> to vector<1x16xf32>
      tpu.vector_store %arg11[%swap3A_1371, %swap3A_1372], %swap3A_1375 {strides = array<i32>} : memref<64x128xf32, #tpu.memory_space<vmem>>, vector<1x16xf32>,
      %mul3A_1376 = arith.mulf %mul3A_1351, %get3A_127 : vector<16xf32>
      %mul3A_1377 = arith.mulf %neg3A_1355, %get3A_127 : vector<16xf32>
      %add3A_1378 = arith.addf %mul3A_1377, %get3A_151 : vector<16xf32>
      %mul3A_1379 = arith.mulf %add3A_1153, %mul3A_1376 : vector<16xf32>
      %add3A_1380 = arith.addf %mul3A_1379, %add3A_1378 : vector<16xf32>
      %swap3A_1381 = arith.index_cast %scan3A_1123 : i32 to index
      %swap3A_1382 = arith.constant 32 : index
      %swap3A_1383 = tpu.vector_load %arg11[%swap3A_1381, %swap3A_1382] {strides = array<i32>} : memref<64x128xf32, #tpu.memory_space<vmem>>, vector<1x16xf32>,
      %swap3A_1384 = vector.shape_cast %swap3A_1383 : vector<1x16xf32> to vector<16xf32>
      %swap3A_1385 = vector.shape_cast %add3A_1380 : vector<16xf32> to vector<1x16xf32>
      tpu.vector_store %arg11[%swap3A_1381, %swap3A_1382], %swap3A_1385 {strides = array<i32>} : memref<64x128xf32, #tpu.memory_space<vmem>>, vector<1x16xf32>,
      %mul3A_1386 = arith.mulf %mul3A_1351, %get3A_130 : vector<16xf32>
      %mul3A_1387 = arith.mulf %neg3A_1355, %get3A_130 : vector<16xf32>
      %add3A_1388 = arith.addf %mul3A_1387, %get3A_154 : vector<16xf32>
      %mul3A_1389 = arith.mulf %add3A_1163, %mul3A_1386 : vector<16xf32>
      %add3A_1390 = arith.addf %mul3A_1389, %add3A_1388 : vector<16xf32>
      %swap3A_1391 = arith.index_cast %scan3A_1123 : i32 to index
      %swap3A_1392 = arith.constant 48 : index
      %swap3A_1393 = tpu.vector_load %arg11[%swap3A_1391, %swap3A_1392] {strides = array<i32>} : memref<64x128xf32, #tpu.memory_space<vmem>>, vector<1x16xf32>,
      %swap3A_1394 = vector.shape_cast %swap3A_1393 : vector<1x16xf32> to vector<16xf32>
      %swap3A_1395 = vector.shape_cast %add3A_1390 : vector<16xf32> to vector<1x16xf32>
      tpu.vector_store %arg11[%swap3A_1391, %swap3A_1392], %swap3A_1395 {strides = array<i32>} : memref<64x128xf32, #tpu.memory_space<vmem>>, vector<1x16xf32>,
      %mul3A_1396 = arith.mulf %mul3A_1351, %get3A_133 : vector<16xf32>
      %mul3A_1397 = arith.mulf %neg3A_1355, %get3A_133 : vector<16xf32>
      %add3A_1398 = arith.addf %mul3A_1397, %get3A_157 : vector<16xf32>
      %mul3A_1399 = arith.mulf %add3A_1173, %mul3A_1396 : vector<16xf32>
      %add3A_1400 = arith.addf %mul3A_1399, %add3A_1398 : vector<16xf32>
      %swap3A_1401 = arith.index_cast %scan3A_1123 : i32 to index
      %swap3A_1402 = arith.constant 64 : index
      %swap3A_1403 = tpu.vector_load %arg11[%swap3A_1401, %swap3A_1402] {strides = array<i32>} : memref<64x128xf32, #tpu.memory_space<vmem>>, vector<1x16xf32>,
      %swap3A_1404 = vector.shape_cast %swap3A_1403 : vector<1x16xf32> to vector<16xf32>
      %swap3A_1405 = vector.shape_cast %add3A_1400 : vector<16xf32> to vector<1x16xf32>
      tpu.vector_store %arg11[%swap3A_1401, %swap3A_1402], %swap3A_1405 {strides = array<i32>} : memref<64x128xf32, #tpu.memory_space<vmem>>, vector<1x16xf32>,
      %mul3A_1406 = arith.mulf %mul3A_1351, %get3A_136 : vector<16xf32>
      %mul3A_1407 = arith.mulf %neg3A_1355, %get3A_136 : vector<16xf32>
      %add3A_1408 = arith.addf %mul3A_1407, %get3A_160 : vector<16xf32>
      %mul3A_1409 = arith.mulf %add3A_1183, %mul3A_1406 : vector<16xf32>
      %add3A_1410 = arith.addf %mul3A_1409, %add3A_1408 : vector<16xf32>
      %swap3A_1411 = arith.index_cast %scan3A_1123 : i32 to index
      %swap3A_1412 = arith.constant 80 : index
      %swap3A_1413 = tpu.vector_load %arg11[%swap3A_1411, %swap3A_1412] {strides = array<i32>} : memref<64x128xf32, #tpu.memory_space<vmem>>, vector<1x16xf32>,
      %swap3A_1414 = vector.shape_cast %swap3A_1413 : vector<1x16xf32> to vector<16xf32>
      %swap3A_1415 = vector.shape_cast %add3A_1410 : vector<16xf32> to vector<1x16xf32>
      tpu.vector_store %arg11[%swap3A_1411, %swap3A_1412], %swap3A_1415 {strides = array<i32>} : memref<64x128xf32, #tpu.memory_space<vmem>>, vector<1x16xf32>,
      %mul3A_1416 = arith.mulf %mul3A_1351, %get3A_139 : vector<16xf32>
      %mul3A_1417 = arith.mulf %neg3A_1355, %get3A_139 : vector<16xf32>
      %add3A_1418 = arith.addf %mul3A_1417, %get3A_163 : vector<16xf32>
      %mul3A_1419 = arith.mulf %add3A_1193, %mul3A_1416 : vector<16xf32>
      %add3A_1420 = arith.addf %mul3A_1419, %add3A_1418 : vector<16xf32>
      %swap3A_1421 = arith.index_cast %scan3A_1123 : i32 to index
      %swap3A_1422 = arith.constant 96 : index
      %swap3A_1423 = tpu.vector_load %arg11[%swap3A_1421, %swap3A_1422] {strides = array<i32>} : memref<64x128xf32, #tpu.memory_space<vmem>>, vector<1x16xf32>,
      %swap3A_1424 = vector.shape_cast %swap3A_1423 : vector<1x16xf32> to vector<16xf32>
      %swap3A_1425 = vector.shape_cast %add3A_1420 : vector<16xf32> to vector<1x16xf32>
      tpu.vector_store %arg11[%swap3A_1421, %swap3A_1422], %swap3A_1425 {strides = array<i32>} : memref<64x128xf32, #tpu.memory_space<vmem>>, vector<1x16xf32>,
      %mul3A_1426 = arith.mulf %mul3A_1351, %get3A_142 : vector<16xf32>
      %mul3A_1427 = arith.mulf %neg3A_1355, %get3A_142 : vector<16xf32>
      %add3A_1428 = arith.addf %mul3A_1427, %get3A_166 : vector<16xf32>
      %mul3A_1429 = arith.mulf %add3A_1203, %mul3A_1426 : vector<16xf32>
      %add3A_1430 = arith.addf %mul3A_1429, %add3A_1428 : vector<16xf32>
      %swap3A_1431 = arith.index_cast %scan3A_1123 : i32 to index
      %swap3A_1432 = arith.constant 112 : index
      %swap3A_1433 = tpu.vector_load %arg11[%swap3A_1431, %swap3A_1432] {strides = array<i32>} : memref<64x128xf32, #tpu.memory_space<vmem>>, vector<1x16xf32>,
      %swap3A_1434 = vector.shape_cast %swap3A_1433 : vector<1x16xf32> to vector<16xf32>
      %swap3A_1435 = vector.shape_cast %add3A_1430 : vector<16xf32> to vector<1x16xf32>
      tpu.vector_store %arg11[%swap3A_1431, %swap3A_1432], %swap3A_1435 {strides = array<i32>} : memref<64x128xf32, #tpu.memory_space<vmem>>, vector<1x16xf32>,
    }
    %scan3A_185 = arith.constant 64 : i32
    "tpu.region"() ({
      %run_scoped3A = tpu.sem_alloc : memref<!tpu.dma_semaphore, #tpu.memory_space<semaphore_mem>>
      %dma_start3A_186 = arith.constant 0 : i32
      %dma_start3A_187 = tpu.memref_slice %arg8[%mul3A_2, %dma_start3A_186] : memref<2048x128xf32, #tpu.memory_space<hbm>> -> memref<64x128xf32, #tpu.memory_space<hbm>>
      %dma_start3A_188 = arith.constant 0 : i32
      %dma_start3A_189 = tpu.memref_slice %arg8[%mul3A_2, %dma_start3A_188] : memref<2048x128xf32, #tpu.memory_space<hbm>> -> memref<64x128xf32, #tpu.memory_space<hbm>>
      tpu.enqueue_dma source(%arg11 : memref<64x128xf32, #tpu.memory_space<vmem>>) target(%dma_start3A_189 : memref<64x128xf32, #tpu.memory_space<hbm>>) target_semaphore(%run_scoped3A : memref<!tpu.dma_semaphore, #tpu.memory_space<semaphore_mem>>)
      %dma_wait3A_190 = arith.constant 0 : i32
      %dma_wait3A_191 = tpu.memref_slice %arg8[%mul3A_2, %dma_wait3A_190] : memref<2048x128xf32, #tpu.memory_space<hbm>> -> memref<64x128xf32, #tpu.memory_space<hbm>>
      %dma_wait3A_192 = arith.constant 0 : i32
      %dma_wait3A_193 = tpu.memref_slice %arg8[%mul3A_2, %dma_wait3A_192] : memref<2048x128xf32, #tpu.memory_space<hbm>> -> memref<64x128xf32, #tpu.memory_space<hbm>>
      tpu.wait_dma2 semaphore(%run_scoped3A : memref<!tpu.dma_semaphore, #tpu.memory_space<semaphore_mem>>) src(%arg11 : memref<64x128xf32, #tpu.memory_space<vmem>>) dst(%dma_wait3A_193 : memref<64x128xf32, #tpu.memory_space<hbm>>)
      tpu.yield
    }) : () -> ()
    return
  }
}

</mosaic_0001>

<sc_bundles>
// kernel: _emb_ln.3.cloned.1.call-start
scs
__scs_entry_jumppad:
0x0: {  	(pc) =	sbr.rel $0x88, $3  }
0x1: {  	(tag) =	ssettag $0x0;
	lr =	simm.s32 $0x1  }
0x2: {  	[smem:$0x3F9B] =	sst lr;
	_ =	strace $0xD0000000  }
0x3: {  	_ = 	snop  }
0x4: {  	_ = 	snop  }
0x5: {  	_ = 	snop  }
0x6: {  	_ = 	snop  }
0x7: {  	_ = 	snop  }
__scs_overlays_trampoline_lowered:
0x8: {  	[smem:$0x3FAA] =	sst s0  }
0x9: {  	[smem:$0x3FAB] =	sst s1  }
0xa: {  	[smem:$0x3FAC] =	sst s2  }
0xb: {  	[smem:$0x3FAD] =	sst s3  }
0xc: {  	[smem:$0x3FAE] =	sst s4  }
0xd: {  	[smem:$0x3FAF] =	sst s5  }
0xe: {  	[smem:$0x3FB0] =	sst s6  }
0xf: {  	[smem:$0x3FB1] =	sst s7  }
0x10: {  	[smem:$0x3FB2] =	sst s8  }
0x11: {  	[smem:$0x3FB3] =	sst s9;
	s0 =	simm.s32 @!p0 $0x0  }
0x12: {  	s1 =	sld [smem:$0x3F99];
	s0 =	simm.s32 @p0 $0x1  }
0x13: {  	[smem:$0x3FB4] =	sst s0;
	s0 =	simm.s32 @!p1 $0x0  }
0x14: {  	s2 =	sld [smem:$0x3F98];
	s0 =	simm.s32 @p1 $0x1  }
0x15: {  	[smem:$0x3FB5] =	sst s0;
	s0 =	simm.s32 @!p2 $0x0  }
0x16: {  	s3 =	sld [smem:$0x3FDB];
	s0 =	simm.s32 @p2 $0x1  }
0x17: {  	s4 =	simm.s32 $0x1BF5;
	[smem:$0x3FB7] =	sst s0  }
0x18: {  	s0 =	sld [smem:$0x3F9A];
	_ =	swait.ge [sflag:s4], $0x0  }
0x19: {  	s7 =	sld [smem:$0x3F9B]  }
0x1a: {  	s8 =	sadd.s32 $0xFFFFE003, lr  }
0x1b: {  	s9 =	sadd.s32 $0xFFFFFEF7, lr;
	s5 =	simm.s32 $0xFFFFFFFF;
	p2 =	slt.u32 s8, $0xFFFFF086  }
0x1c: {  	p1 =	slt.u32 s9, $0xF7A;
	s5 =	simm.s32 @!p2 $0x0  }
0x1d: {  	s5 =	simm.s32 @p1 $0x1;
	p0 =	seq.s32 s7, s2  }
0x1e: {  	s7 =	smul.u32 @!p0 $0xF7A, s2;
	p2 =	seq.s32 @!p0 s5, $0x0  }
0x1f: {  	s9 =	smul.u32 $0xF7A, s1;
	s8 =	simm.s32 @!p0 $0x1BF5;
	p2 =	por !p2, p0  }
0x20: {  	[sflag:s8] =	ssyncset.s32 @!p0 $0xFFFFF086;
	s6 =	sadd.s32 @!p0 s3, s7;
	s7 =	simm.s32 @!p0 $0x108  }
0x21: {  	s3 =	sadd.s32 s3, s9;
	s6 =	sadd.s32 @!p0 $0x88, s6;
	s7 =	simm.s32 @p2 $0x1082  }
0x22: {  	[simem:s7], [sflag:s8] =	dma.local @!p0 [hbm:s6], $0xF7A  }
0x23: {  	s9 =	sor.u32 $0xD0000000, s2;
	s6 =	simm.s32 $0x108;
	_ =	swait.ge @!p0 [sflag:s8], $0x0  }
0x24: {  	s3 =	sadd.s32 $0x88, s3;
	s6 =	simm.s32 @!p1 $0x1082;
	[sflag:s4] =	ssyncset.s32 $0xFFFFF086  }
0x25: {  	[simem:s6], [sflag:s4] =	dma.local [hbm:s3], $0xF7A  }
0x26: {  	[smem:$0x3F9B] =	sst s1;
	(tag) =	ssettag s2;
	_ =	strace s9  }
0x27: {  	s1 =	sld [smem:$0x3FAB]  }
0x28: {  	s2 =	sld [smem:$0x3FAC]  }
0x29: {  	s4 =	sld [smem:$0x3FAE]  }
0x2a: {  	p0 =	seq.s32 s5, $0x0;
	s5 =	sld [smem:$0x3FAF]  }
0x2b: {  	s6 =	sld [smem:$0x3FB0]  }
0x2c: {  	s7 =	sld [smem:$0x3FB1]  }
0x2d: {  	s3 =	simm.s32 $0x108;
	s8 =	sld [smem:$0x3FB2]  }
0x2e: {  	s3 =	simm.s32 @!p0 $0x1082;
	s9 =	sld [smem:$0x3FB3]  }
0x2f: {  	lr =	sadd.s32 s0, s3;
	s0 =	sld [smem:$0x3FAA]  }
0x30: {  	s3 =	sld [smem:$0x3FAD]  }
0x31: {  	[smem:$0x3FB6] =	sst s10  }
0x32: {  	s10 =	sld [smem:$0x3FB4];
	_ =	sdelay $0x3  }
0x33: {  	p0 =	seq.s32 s10, $0x1;
	s10 =	sld [smem:$0x3FB6];
	_ =	sdelay $0x3  }
0x34: {  	[smem:$0x3FB6] =	sst s10  }
0x35: {  	s10 =	sld [smem:$0x3FB5];
	_ =	sdelay $0x3  }
0x36: {  	p1 =	seq.s32 s10, $0x1;
	s10 =	sld [smem:$0x3FB6];
	_ =	sdelay $0x3  }
0x37: {  	[smem:$0x3FB6] =	sst s10  }
0x38: {  	s10 =	sld [smem:$0x3FB7]  }
0x39: {  	_ = 	snop;
	(pc) =	sbr.ind lr, $3  }
0x3a: {  	_ = 	snop  }
0x3b: {  	_ = 	snop  }
0x3c: {  	p2 =	seq.s32 s10, $0x1;
	s10 =	sld [smem:$0x3FB6]  }
0x3d: {  	_ =	shalt  }
0x3e: {  	_ =	shalt  }
0x3f: {  	_ =	shalt  }
0x40: {  	_ =	shalt  }
0x41: {  	_ =	shalt  }
0x42: {  	_ =	shalt  }
0x43: {  	_ =	shalt  }
0x44: {  	_ =	shalt  }
0x45: {  	_ =	shalt  }
0x46: {  	_ =	shalt  }
0x47: {  	_ =	shalt  }
0x48: {  	_ =	shalt  }
0x49: {  	_ =	shalt  }
0x4a: {  	_ =	shalt  }
0x4b: {  	_ =	shalt  }
0x4c: {  	_ =	shalt  }
0x4d: {  	_ =	shalt  }
0x4e: {  	_ =	shalt  }
0x4f: {  	_ =	shalt  }
0x50: {  	_ =	shalt  }
0x51: {  	_ =	shalt  }
0x52: {  	_ =	shalt  }
0x53: {  	_ =	shalt  }
0x54: {  	_ =	shalt  }
0x55: {  	_ =	shalt  }
0x56: {  	_ =	shalt  }
0x57: {  	_ =	shalt  }
0x58: {  	_ =	shalt  }
0x59: {  	_ =	shalt  }
0x5a: {  	_ =	shalt  }
0x5b: {  	_ =	shalt  }
0x5c: {  	_ =	shalt  }
0x5d: {  	_ =	shalt  }
0x5e: {  	_ =	shalt  }
0x5f: {  	_ =	shalt  }
0x60: {  	_ =	shalt  }
0x61: {  	_ =	shalt  }
0x62: {  	_ =	shalt  }
0x63: {  	_ =	shalt  }
0x64: {  	_ =	shalt  }
0x65: {  	_ =	shalt  }
0x66: {  	_ =	shalt  }
0x67: {  	_ =	shalt  }
0x68: {  	_ =	shalt  }
0x69: {  	_ =	shalt  }
0x6a: {  	_ =	shalt  }
0x6b: {  	_ =	shalt  }
0x6c: {  	_ =	shalt  }
0x6d: {  	_ =	shalt  }
0x6e: {  	_ =	shalt  }
0x6f: {  	_ =	shalt  }
0x70: {  	_ =	shalt  }
0x71: {  	_ =	shalt  }
0x72: {  	_ =	shalt  }
0x73: {  	_ =	shalt  }
0x74: {  	_ =	shalt  }
0x75: {  	_ =	shalt  }
0x76: {  	_ =	shalt  }
0x77: {  	_ =	shalt  }
0x78: {  	_ =	shalt  }
0x79: {  	_ =	shalt  }
0x7a: {  	_ =	shalt  }
0x7b: {  	_ =	shalt  }
0x7c: {  	_ =	shalt  }
0x7d: {  	_ =	shalt  }
0x7e: {  	_ =	shalt  }
0x7f: {  	_ =	shalt  }
0x80: {  	_ =	shalt  }
0x81: {  	_ =	shalt  }
0x82: {  	_ =	shalt  }
0x83: {  	_ =	shalt  }
0x84: {  	_ =	shalt  }
0x85: {  	_ =	shalt  }
0x86: {  	_ =	shalt  }
0x87: {  	_ =	shalt  }
.Lfunc_end0:
.L_simem_size_0:
called_computation_lowered:
.L_overlay_start_0:
0x88: {  	s2 =	sld [smem:$0x3FD9]  }
0x89: {  	s3 =	sld [smem:$0x3FFE];
	_ =	sdelay $0x1  }
0x8a: {  	s1 =	srdreg.scid  }
0x8b: {  	s0 =	sand.u32 $0x1, s1  }
0x8c: {  	s15 =	sshll.u32 s0, $0xA;
	s2 =	sadd.s32 s3, s2  }
0x8d: {  	s2 =	sadd.s32 s2, s15  }
0x8e: {  	[smem:$0x3FC2] =	sst s2  }
0x8f: {  	_ = 	snop  }
0x90: {  	s2 =	sld [smem:$0x3FC9]  }
0x91: {  	s16 =	sld [smem:$0x3FC8]  }
0x92: {  	s4 =	sld [smem:$0x3FC7]  }
0x93: {  	s5 =	sld [smem:$0x3FD0]  }
0x94: {  	s6 =	sld [smem:$0x3FC6]  }
0x95: {  	s7 =	sld [smem:$0x3FC5]  }
0x96: {  	s9 =	simm.s32 $0xA;
	s10 =	simm.s32 $0x10;
	s8 =	sld [smem:$0x3FC4]  }
0x97: {  	[smem:s10], [sflag:s9] =	dma.local [hbm:s5], $0x1  }
0x98: {  	_ =	swait.eq [sflag:s9], $0x1  }
0x99: {  	[sflag:s9] =	ssyncset.done $0x0  }
0x9a: {  	s17 =	sld [smem:$0x10];
	[sflag:s9] =	ssyncadd.s32 $0xFFFFFFFF  }
0x9b: {  	s18 =	sld [smem:$0x11];
	(tm) =	ssettm $0x1  }
0x9c: {  	s19 =	sld [smem:$0x3FFB];
	_ =	sdelay $0x3  }
0x9d: {  	_ =	strace s19  }
0x9e: {  	s10 =	sld [smem:$0x3FFC];
	_ =	sdelay $0x3  }
0x9f: {  	_ =	strace s10  }
0xa0: {  	s10 =	sld [smem:$0x3FFD];
	_ =	sdelay $0x3  }
0xa1: {  	_ =	strace s10  }
0xa2: {  	_ =	strace $0x8FFFFFFF  }
0xa3: {  	s20 =	sld [smem:$0x3FDB];
	_ =	sdelay $0x1  }
0xa4: {  	s11 =	simm.s32 $_scs_section_size  }
0xa5: {  	s12 =	simm.s32 $_size__tile_overlayer_lowered;
	s13 =	simm.s32 $_tile_overlayer_lowered  }
0xa6: {  	s23 =	simm.s32 $0x1BFF;
	s22 =	sshll.u32 s13, $0x1;
	s10 =	sadd.s32 s11, s20  }
0xa7: {  	s14 =	simm.s32 $0x0;
	s21 =	sshll.u32 s12, $0x1;
	s12 =	sadd.s32 s22, s10  }
0xa8: {  	[timem:s14], [sflag:s23] =	dma.local [hbm:s12], s21  }
0xa9: {  	_ =	swait.ge [sflag:s23], s21  }
0xaa: {  	s11 =	ssub.s32 $0x0, s21;
	[sflag:s23] =	ssyncset.done $0x0  }
0xab: {  	[sflag:s23] =	ssyncadd.s32 s11;
	_ =	sdelay $0x1  }
0xac: {  	s24 =	simm.s32 $0x1B8B  }
0xad: {  	_ =	swait.ge [sflag:s24], $0x1  }
0xae: {  	[sflag:s24] =	ssyncset.done $0x0  }
0xaf: {  	s25 =	simm.s32 $0x1B8E;
	[sflag:s24] =	ssyncadd.s32 $0xFFFFFFFF  }
0xb0: {  	s26 =	simm.s32 $execute0_lowered;
	[smem:$0x3FD2] =	sst s25  }
0xb1: {  	s11 =	sshll.u32 s26, $0x1;
	_ =	strace $0x80000046;
	[dreg:$0x1] =	wrdreg $0xFFFFFFFF  }
0xb2: {  	s28 =	simm.s32 $_size_execute0_lowered;
	s10 =	sadd.s32 s10, s11;
	[dreg:$0x0] =	wrdreg $0x0  }
0xb3: {  	s11 =	sshll.u32 s28, $0x1;
	[dreg:$0x2] =	wrdreg s10  }
0xb4: {  	[dreg:$0x3] =	wrdreg s11  }
0xb5: {  	[dreg:$0x4] =	wrdreg $0xC0  }
0xb6: {  	_ =	task [dreg:s14], $0x5FFFF  }
0xb7: {  	[dreg:$0x1] =	wrdreg $0xFFFFFFFF  }
0xb8: {  	[dreg:$0x0] =	wrdreg $0x60  }
0xb9: {  	[dreg:$0x2] =	wrdreg s2  }
0xba: {  	[dreg:$0x3] =	wrdreg s16  }
0xbb: {  	[dreg:$0x4] =	wrdreg s4  }
0xbc: {  	[dreg:$0x5] =	wrdreg s6  }
0xbd: {  	[dreg:$0x6] =	wrdreg s7  }
0xbe: {  	[dreg:$0x7] =	wrdreg s8  }
0xbf: {  	[dreg:$0x8] =	wrdreg s17  }
0xc0: {  	[dreg:$0x9] =	wrdreg s18  }
0xc1: {  	[dreg:$0xa] =	wrdreg $0x9  }
0xc2: {  	_ =	task.clear_ibuf [dreg:s14], $0xBFFFF;
	_ =	strace $0x90000046  }
0xc3: {  	s29 =	simm.s32 $0x9;
	_ =	strace $0x80000048  }
0xc4: {  	_ =	swait.ge [sflag:s29], $0x1  }
0xc5: {  	[sflag:s29] =	ssyncadd.s32 $0xFFFFFFFF  }
0xc6: {  	_ =	strace $0x90000048  }
0xc7: {  	_ =	sfence  }
0xc8: {  	s30 =	sld [smem:$0x0];
	_ =	sdelay $0x2  }
0xc9: {  	s31 =	sshll.u32 s1, $0xD;
	s1 =	sshrl.u32 s1, $0x2  }
0xca: {  	s3 =	sand.u32 $0x4000, s31;
	s1 =	sadd.s32 s1, s30  }
0xcb: {  	s0 =	sor.u32 s3, s0;
	s1 =	sshll.u32 s1, $0x11  }
0xcc: {  	s0 =	sor.u32 s1, s0  }
0xcd: {  	s0 =	sadd.s32 $0x8F2B, s0  }
0xce: {  	[sflag:s0] =	ssyncadd.remote.s32 $0x1  }
0xcf: {  	_ =	sfence.sel $0xFFFF  }
0xd0: {  	[dreg:$0x0] =	wrdreg $0xFFFFFFFF;
	(pc) =	sbr.abs _section_cstart, $3  }
0xd1: {  	[dreg:$0x1] =	wrdreg $0xFFFFFFFF  }
0xd2: {  	_ =	task.clear_ibuf [dreg:s14], $0x2FFFF;
	_ =	strace $0x9FFFFFFF  }
0xd3: {  	(tm) =	ssettm $0x7FFFFFFF  }
tec
execute0_lowered:
.L_overlay_start_1:
0x0: {  	(tag) =	ssettag $0x1  }
0x1: {  	s6 =	rddreg [dreg:$0x0]  }
0x2: {  	s0 =	rddreg [dreg:$0x1]  }
0x3: {  	s7 =	rddreg [dreg:$0x2]  }
0x4: {  	s8 =	rddreg [dreg:$0x3]  }
0x5: {  	s2 =	rddreg [dreg:$0x4]  }
0x6: {  	s3 =	rddreg [dreg:$0x5]  }
0x7: {  	s10 =	rddreg [dreg:$0x6]  }
0x8: {  	s9 =	rddreg [dreg:$0x7];
	v0 =	vimm.s32 $0xFEDCBA98;
	v1 =	vimm.s32 $0x76543210  }
0x9: {  	s1 =	rddreg [dreg:$0x8];
	v2 =	vimm.s32 $0xBA98FEDC;
	v3 =	vimm.s32 $0x32107654;
	v4 =	vimm.s32 $0xDCFE98BA  }
0xa: {  	s4 =	simm.s32 $0x0;
	s5 =	srdreg.scid;
	v5 =	vimm.s32 $0x54761032;
	v6 =	vimm.s32 $0xEFCDAB89;
	s16 =	simm.s32 $0x4080  }
0xb: {  	v7 =	vimm.s32 $0x67452301;
	s17 =	simm.s32 $0x4100;
	s18 =	simm.s32 $0x4180;
	s19 =	simm.s32 $0x4200  }
0xc: {  	s20 =	simm.s32 $0x1;
	s21 =	simm.s32 $0x0;
	v0 =	vunpack.c.l.s4.s8 v0;
	[smem:$0x7FF] =	sst s4;
	v1 =	vunpack.c.l.s4.s8 v1;
	v2 =	vunpack.c.l.s4.s8 v2  }
0xd: {  	s11 =	sand.u32 $0x1, s5;
	s5 =	stileid.u32;
	v3 =	vunpack.c.l.s4.s8 v3;
	v4 =	vunpack.c.l.s4.s8 v4;
	v5 =	vunpack.c.l.s4.s8 v5;
	_ =	strace $0x80000047  }
0xe: {  	v6 =	vunpack.c.l.s4.s8 v6;
	v7 =	vunpack.c.l.s4.s8 v7;
	s12 =	ssub.s32 $0x2, s11;
	s14 =	sshll.u32 s5, $0x7;
	s11 =	sshll.u32 s11, $0x6;
	v0 =	vunpack.c.0.s8.s32 v0  }
0xf: {  	s31 =	sshll.u32 s5, $0x1;
	s13 =	sshrl.u32 s12, $0x1;
	s11 =	sor.u32 s11, s14;
	v2 =	vunpack.c.0.s8.s32 v2;
	v3 =	vunpack.c.0.s8.s32 v3;
	v4 =	vunpack.c.0.s8.s32 v4  }
0x10: {  	s14 =	sand.u32 $0x10, s31;
	v5 =	vunpack.c.0.s8.s32 v5;
	v6 =	vunpack.c.0.s8.s32 v6;
	v7 =	vunpack.c.0.s8.s32 v7;
	s12 =	ssub.s32 s12, s13;
	s30 =	sshrl.u32 s11, $0x3  }
0x11: {  	v1 =	vunpack.c.0.s8.s32 v1;
	s11 =	sshll.u32 s11, $0x4;
	s8 =	sadd.s32 s8, s14;
	s13 =	simm.s32 $0x40;
	v2 =	vcombine.low v3, v2  }
0x12: {  	s14 =	simm.s32 $0x80;
	s6 =	sadd.s32 s6, s30;
	s15 =	sand.u32 $0x3C00, s11;
	v3 =	vcombine.low v5, v4;
	v4 =	vand.u32 $0xF, v0;
	v5 =	vcombine.low v7, v6  }
0x13: {  	s9 =	sadd.s32 s9, s30;
	s10 =	sadd.s32 s10, s11;
	s11 =	smax.u32 s12, $0x1;
	v0 =	vimm.s32 $0x0;
	v1 =	vcombine.low v4, v1  }
0x14: {  	s12 =	simm.s32 $0x2;
	s7 =	sadd.s32 s7, s15;
	s15 =	simm.s32 $0x2080;
	v2 =	vand.u32 $0xF, v2;
	v3 =	vand.u32 $0xF, v3;
	v4 =	vand.u32 $0xF, v5  }
.LBB2_1:
0x15: {  	[tilespmem:s4], [sflag:$0x2] =	stream.linear.gather [hbm4b:s6+s4], $0x40, $0x38;
	[tilespmem:$0x4280] =	vst v63  }
0x16: {  	_ =	swait.ge [sflag:s12], $0x40  }
0x17: {  	[sflag:s12] =	ssyncset.done $0x0  }
0x18: {  	[sflag:s12] =	ssyncadd.s32 $0xFFFFFFC0  }
0x19: {  	[tilespmem:s14], [sflag:$0x1] =	stream.indirect.gather [hbm4b:s0+s13], $0x80, s4, s13, $0xb8;
	[tilespmem:$0x4280] =	vst v63  }
0x1a: {  	_ = 	snop  }
0x1b: {  	[tilespmem:s15], [sflag:$0x2] =	stream.linear.gather [hbm4b:s7+s4], $0x2000, $0x38;
	[tilespmem:$0x4280] =	vst v63  }
0x1c: {  	_ =	swait.ge [sflag:s12], $0x2000  }
0x1d: {  	[sflag:s12] =	ssyncset.done $0x0  }
0x1e: {  	[sflag:s12] =	ssyncadd.s32 $0xFFFFE000  }
0x1f: {  	[tilespmem:s16], [sflag:$0x2] =	stream.linear.gather [hbm4b:s8+s4], $0x80, $0x38;
	[tilespmem:$0x4280] =	vst v63  }
0x20: {  	_ =	swait.ge [sflag:s12], $0x80  }
0x21: {  	[sflag:s12] =	ssyncset.done $0x0  }
0x22: {  	[sflag:s12] =	ssyncadd.s32 $0xFFFFFF80  }
0x23: {  	[tilespmem:s17], [sflag:$0x2] =	stream.linear.gather [hbm4b:s2+s4], $0x80, $0x38;
	[tilespmem:$0x4280] =	vst v63  }
0x24: {  	_ =	swait.ge [sflag:s12], $0x80  }
0x25: {  	[sflag:s12] =	ssyncset.done $0x0  }
0x26: {  	[sflag:s12] =	ssyncadd.s32 $0xFFFFFF80  }
0x27: {  	[tilespmem:s18], [sflag:$0x2] =	stream.linear.gather [hbm4b:s3+s4], $0x80, $0x38;
	[tilespmem:$0x4280] =	vst v63  }
0x28: {  	_ =	swait.ge [sflag:s12], $0x80  }
0x29: {  	[sflag:s12] =	ssyncset.done $0x0  }
0x2a: {  	[sflag:s12] =	ssyncadd.s32 $0xFFFFFF80  }
0x2b: {  	v5 =	vld [tilespmem:$0x0]  }
0x2c: {  	v6 =	vld [tilespmem:$0x10]  }
0x2d: {  	v7 =	vld [tilespmem:$0x20]  }
0x2e: {  	v8 =	vld [tilespmem:$0x30];
	_ =	sdelay $0x1  }
0x2f: {  	vm0 =	veq.s32 v5, $0x0  }
0x30: {  	vm13 =	veq.s32 v6, $0x0;
	v5 =	vsel vm0, $0x1, v0  }
0x31: {  	vm14 =	veq.s32 v7, $0x0;
	[tilespmem:$0x4200] =	vst v5;
	v5 =	vsel vm13, $0x1, v0  }
0x32: {  	vm15 =	veq.s32 v8, $0x0;
	[tilespmem:$0x4210] =	vst v5;
	v5 =	vsel vm14, $0x1, v0  }
0x33: {  	[tilespmem:$0x4220] =	vst v5;
	v5 =	vsel vm15, $0x1, v0  }
0x34: {  	[tilespmem:$0x4230] =	vst v5  }
0x35: {  	[hbm4b:s9+s4] =	stream.linear.scatter [tilespmem:s19], [sflag:$0x2], $0x40, $0x38;
	[tilespmem:$0x4280] =	vst v63  }
0x36: {  	_ =	swait.ge [sflag:s12], $0x40  }
0x37: {  	[sflag:s12] =	ssyncset.done $0x0  }
0x38: {  	[sflag:s12] =	ssyncadd.s32 $0xFFFFFFC0  }
0x39: {  	v5 =	vld [tilespmem:$0x4080]  }
0x3a: {  	v6 =	vld [tilespmem:$0x4090]  }
0x3b: {  	v7 =	vld [tilespmem:$0x40A0]  }
0x3c: {  	v8 =	vld [tilespmem:$0x40B0]  }
0x3d: {  	v9 =	vld [tilespmem:$0x40C0]  }
0x3e: {  	v10 =	vld [tilespmem:$0x40D0]  }
0x3f: {  	v11 =	vld [tilespmem:$0x40E0]  }
0x40: {  	v12 =	vld [tilespmem:$0x40F0]  }
0x41: {  	v13 =	vld [tilespmem:$0x4100]  }
0x42: {  	v14 =	vld [tilespmem:$0x4110]  }
0x43: {  	v15 =	vld [tilespmem:$0x4120]  }
0x44: {  	v16 =	vld [tilespmem:$0x4130]  }
0x45: {  	v17 =	vld [tilespmem:$0x4140]  }
0x46: {  	v18 =	vld [tilespmem:$0x4150]  }
0x47: {  	v19 =	vld [tilespmem:$0x4160]  }
0x48: {  	v20 =	vld [tilespmem:$0x4170]  }
0x49: {  	v21 =	vld [tilespmem:$0x4180]  }
0x4a: {  	v22 =	vld [tilespmem:$0x4190]  }
0x4b: {  	v23 =	vld [tilespmem:$0x41A0]  }
0x4c: {  	v24 =	vld [tilespmem:$0x41B0]  }
0x4d: {  	v25 =	vld [tilespmem:$0x41C0]  }
0x4e: {  	v26 =	vld [tilespmem:$0x41D0]  }
0x4f: {  	v27 =	vld [tilespmem:$0x41E0]  }
0x50: {  	v28 =	vld [tilespmem:$0x41F0];
	_ =	swait.ge [sflag:s20], $0x2000  }
0x51: {  	s22 =	simm.s32 $0xFFFFFFFC;
	[sflag:s20] =	ssyncset.done $0x0  }
0x52: {  	s23 =	simm.s32 $0x180;
	s24 =	simm.s32 $0x2180;
	[sflag:s20] =	ssyncadd.s32 $0xFFFFE000  }
.LBB2_2:
0x53: {  	v29 =	vld [tilespmem:s23+$0xFFFFFF00]  }
0x54: {  	v30 =	vld [tilespmem:s24+$0xFFFFFF00]  }
0x55: {  	v31 =	vld [tilespmem:s23+$0xFFFFFF10]  }
0x56: {  	v32 =	vld [tilespmem:s24+$0xFFFFFF10]  }
0x57: {  	v33 =	vld [tilespmem:s23+$0xFFFFFF20]  }
0x58: {  	v34 =	vld [tilespmem:s24+$0xFFFFFF20]  }
0x59: {  	v35 =	vld [tilespmem:s23+$0xFFFFFF30]  }
0x5a: {  	v36 =	vld [tilespmem:s24+$0xFFFFFF30]  }
0x5b: {  	v37 =	vld [tilespmem:s23+$0xFFFFFF40]  }
0x5c: {  	v38 =	vld [tilespmem:s24+$0xFFFFFF40]  }
0x5d: {  	v39 =	vld [tilespmem:s23+$0xFFFFFF50]  }
0x5e: {  	v40 =	vld [tilespmem:s24+$0xFFFFFF50]  }
0x5f: {  	v41 =	vld [tilespmem:s23+$0xFFFFFF60]  }
0x60: {  	v42 =	vld [tilespmem:s24+$0xFFFFFF60];
	_ =	sdelay $0x1  }
0x61: {  	v29 =	vadd.f32 v30, v29;
	v31 =	vadd.f32 v32, v31  }
0x62: {  	v44 =	vld [tilespmem:s24+$0xFFFFFF70];
	v43 =	vadd.f32 v34, v33;
	v45 =	vadd.f32 v36, v35  }
0x63: {  	v30 =	vld [tilespmem:s23+$0xFFFFFF70];
	v46 =	vadd.f32 v38, v37;
	v47 =	vadd.f32 v40, v39  }
0x64: {  	v48 =	vadd.f32 v42, v41;
	v29 =	vadd.f32 v29, v5  }
0x65: {  	v31 =	vadd.f32 v31, v6;
	v32 =	vadd.f32 v43, v7  }
0x66: {  	v34 =	vadd.f32 v45, v8;
	v35 =	vadd.f32 v46, v9  }
0x67: {  	v33 =	vadd.f32 v47, v10;
	v36 =	vadd.f32 v48, v11;
	v49 =	vmul.f32 v29, v29  }
0x68: {  	v50 =	vmul.f32 v31, v31;
	v51 =	vmul.f32 v32, v32;
	v30 =	vadd.f32 v44, v30  }
0x69: {  	v52 =	vmul.f32 v34, v34;
	v53 =	vadd.f32 v31, v29;
	v54 =	vadd.f32 v34, v32  }
0x6a: {  	v43 =	vmul.f32 v35, v35;
	v46 =	vmul.f32 v33, v33;
	v30 =	vadd.f32 v30, v12  }
0x6b: {  	v47 =	vmul.f32 v36, v36;
	v44 =	vadd.f32 v33, v35;
	v41 =	vadd.f32 v54, v53  }
0x6c: {  	v37 =	vadd.f32 v50, v49;
	v45 =	vadd.f32 v30, v36;
	v55 =	vmul.f32 v30, v30  }
0x6d: {  	v56 =	vadd.f32 v52, v51;
	v57 =	vadd.f32 v46, v43  }
0x6e: {  	v44 =	vadd.f32 v45, v44;
	v58 =	vadd.f32 v55, v47  }
0x6f: {  	v37 =	vadd.f32 v56, v37  }
0x70: {  	v59 =	vadd.f32 v58, v57;
	v60 =	vadd.f32 v44, v41;
	_ =	sdelay $0x1  }
0x71: {  	v61 =	vperm.xlane v60, v1;
	v37 =	vadd.f32 v59, v37;
	_ =	sdelay $0x1  }
0x72: {  	v62 =	vadd.f32 v60, v61;
	v63 =	vperm.xlane v37, v1;
	_ =	sdelay $0x1  }
0x73: {  	v40 =	vperm.xlane v62, v2;
	v37 =	vadd.f32 v37, v63;
	_ =	sdelay $0x1  }
0x74: {  	v38 =	vadd.f32 v62, v40;
	v39 =	vperm.xlane v37, v2;
	_ =	sdelay $0x1  }
0x75: {  	v40 =	vperm.xlane v38, v3;
	v37 =	vadd.f32 v37, v39;
	_ =	sdelay $0x1  }
0x76: {  	v38 =	vadd.f32 v38, v40;
	v39 =	vperm.xlane v37, v3;
	_ =	sdelay $0x1  }
0x77: {  	v40 =	vperm.xlane v38, v4;
	v37 =	vadd.f32 v37, v39;
	_ =	sdelay $0x1  }
0x78: {  	v38 =	vadd.f32 v38, v40;
	v39 =	vperm.xlane v37, v4;
	_ =	sdelay $0x1  }
0x79: {  	v38 =	vmul.f32 $7.812500000e-03, v38;
	v37 =	vadd.f32 v37, v39;
	_ =	sdelay $0x1  }
0x7a: {  	v37 =	vmul.f32 $7.812500000e-03, v37;
	v43 =	vmul.f32 v38, v38;
	_ =	sdelay $0x1  }
0x7b: {  	v37 =	vsub.f32 v37, v43;
	_ =	sdelay $0x1  }
0x7c: {  	v37 =	vadd.f32 $9.999999740e-06, v37;
	_ =	sdelay $0x1  }
0x7d: {  	v44 =	vshrl.u32 v37, $0x1;
	v37 =	vmul.f32 $5.000000000e-01, v37  }
0x7e: {  	v39 =	vsub.s32 $0x5F3759DF, v44  }
0x7f: {  	v45 =	vmul.f32 v39, v37;
	_ =	sdelay $0x1  }
0x80: {  	v40 =	vmul.f32 v39, v45;
	_ =	sdelay $0x1  }
0x81: {  	v40 =	vsub.f32 $1.500000000e+00, v40;
	_ =	sdelay $0x1  }
0x82: {  	v39 =	vmul.f32 v39, v40;
	_ =	sdelay $0x1  }
0x83: {  	v40 =	vmul.f32 v39, v37;
	_ =	sdelay $0x1  }
0x84: {  	v40 =	vmul.f32 v40, v39;
	_ =	sdelay $0x1  }
0x85: {  	v40 =	vsub.f32 $1.500000000e+00, v40;
	_ =	sdelay $0x1  }
0x86: {  	v39 =	vmul.f32 v40, v39;
	_ =	sdelay $0x1  }
0x87: {  	v37 =	vmul.f32 v39, v37;
	_ =	sdelay $0x1  }
0x88: {  	v37 =	vmul.f32 v37, v39;
	_ =	sdelay $0x1  }
0x89: {  	v37 =	vsub.f32 $1.500000000e+00, v37;
	_ =	sdelay $0x1  }
0x8a: {  	v37 =	vmul.f32 v37, v39;
	_ =	sdelay $0x1  }
0x8b: {  	v38 =	vmul.f32 v37, v38  }
0x8c: {  	v39 =	vmul.f32 v37, v13;
	v47 =	vmul.f32 v37, v14  }
0x8d: {  	v50 =	vmul.f32 v37, v15;
	v52 =	vmul.f32 v37, v16  }
0x8e: {  	v54 =	vmul.f32 v37, v17;
	v55 =	vmul.f32 v37, v18  }
0x8f: {  	v58 =	vmul.f32 v37, v19;
	v37 =	vmul.f32 v37, v20;
	v38 =	vsub.f32 $0.0e+00, v38  }
0x90: {  	v29 =	vmul.f32 v39, v29;
	v31 =	vmul.f32 v47, v31  }
0x91: {  	v32 =	vmul.f32 v50, v32;
	v46 =	vmul.f32 v38, v13  }
0x92: {  	v48 =	vmul.f32 v38, v14;
	v51 =	vmul.f32 v38, v15  }
0x93: {  	v53 =	vmul.f32 v38, v16;
	v56 =	vmul.f32 v38, v17;
	v40 =	vadd.f32 v46, v21  }
0x94: {  	v57 =	vmul.f32 v38, v18;
	v59 =	vmul.f32 v38, v19;
	v49 =	vadd.f32 v48, v22  }
0x95: {  	v38 =	vmul.f32 v38, v20;
	v41 =	vadd.f32 v51, v23;
	v29 =	vadd.f32 v40, v29  }
0x96: {  	v34 =	vmul.f32 v52, v34;
	v42 =	vadd.f32 v53, v24;
	v31 =	vadd.f32 v49, v31  }
0x97: {  	v30 =	vmul.f32 v37, v30;
	v62 =	vadd.f32 v38, v28;
	v32 =	vadd.f32 v41, v32;
	[tilespmem:s23+$0xFFFFFF00] =	vst v29  }
0x98: {  	v45 =	vld [tilespmem:s23+$0xFFFFFFA0];
	v35 =	vmul.f32 v54, v35;
	v34 =	vadd.f32 v42, v34;
	v29 =	vadd.f32 v56, v25;
	[tilespmem:s23+$0xFFFFFF10] =	vst v31  }
0x99: {  	v33 =	vmul.f32 v55, v33;
	v50 =	vld [tilespmem:s23+$0xFFFFFFD0];
	v30 =	vadd.f32 v62, v30;
	v31 =	vadd.f32 v57, v26;
	[tilespmem:s23+$0xFFFFFF20] =	vst v32  }
0x9a: {  	v61 =	vmul.f32 v58, v36;
	v52 =	vld [tilespmem:s23+$0xFFFFFFE0];
	v60 =	vadd.f32 v59, v27;
	[tilespmem:s23+$0xFFFFFF30] =	vst v34;
	v29 =	vadd.f32 v29, v35  }
0x9b: {  	v46 =	vld [tilespmem:s23+$0xFFFFFFB0];
	[tilespmem:s23+$0xFFFFFF70] =	vst v30;
	v31 =	vadd.f32 v31, v33  }
0x9c: {  	v48 =	vld [tilespmem:s23+$0xFFFFFFC0];
	[tilespmem:s23+$0xFFFFFF40] =	vst v29;
	v29 =	vadd.f32 v60, v61  }
0x9d: {  	[tilespmem:s23+$0xFFFFFF50] =	vst v31;
	v31 =	vld [tilespmem:s23+$0xFFFFFF90]  }
0x9e: {  	[tilespmem:s23+$0xFFFFFF60] =	vst v29;
	v29 =	vld [tilespmem:s23+$0xFFFFFF80]  }
0x9f: {  	v30 =	vld [tilespmem:s24+$0xFFFFFF80]  }
0xa0: {  	v63 =	vld [tilespmem:s24+$0xFFFFFF90]  }
0xa1: {  	v34 =	vld [tilespmem:s24+$0xFFFFFFA0]  }
0xa2: {  	v47 =	vld [tilespmem:s24+$0xFFFFFFB0]  }
0xa3: {  	v49 =	vld [tilespmem:s24+$0xFFFFFFC0]  }
0xa4: {  	v51 =	vld [tilespmem:s24+$0xFFFFFFD0]  }
0xa5: {  	v53 =	vld [tilespmem:s24+$0xFFFFFFE0];
	_ =	sdelay $0x1  }
0xa6: {  	v29 =	vadd.f32 v30, v29;
	v31 =	vadd.f32 v63, v31  }
0xa7: {  	v55 =	vld [tilespmem:s24+$0xFFFFFFF0];
	v54 =	vadd.f32 v34, v45;
	v56 =	vadd.f32 v47, v46  }
0xa8: {  	v30 =	vld [tilespmem:s23+$0xFFFFFFF0];
	v57 =	vadd.f32 v49, v48;
	v58 =	vadd.f32 v51, v50  }
0xa9: {  	v59 =	vadd.f32 v53, v52;
	v29 =	vadd.f32 v29, v5  }
0xaa: {  	v31 =	vadd.f32 v31, v6;
	v32 =	vadd.f32 v54, v7  }
0xab: {  	v34 =	vadd.f32 v56, v8;
	v35 =	vadd.f32 v57, v9  }
0xac: {  	v33 =	vadd.f32 v58, v10;
	v36 =	vadd.f32 v59, v11;
	v60 =	vmul.f32 v29, v29  }
0xad: {  	v61 =	vmul.f32 v31, v31;
	v62 =	vmul.f32 v32, v32;
	v30 =	vadd.f32 v55, v30  }
0xae: {  	v63 =	vmul.f32 v34, v34;
	v48 =	vadd.f32 v31, v29;
	v49 =	vadd.f32 v34, v32  }
0xaf: {  	v50 =	vmul.f32 v35, v35;
	v51 =	vadd.f32 v33, v35;
	v30 =	vadd.f32 v30, v12  }
0xb0: {  	v53 =	vmul.f32 v33, v33;
	v54 =	vmul.f32 v36, v36;
	v41 =	vadd.f32 v49, v48  }
0xb1: {  	v37 =	vadd.f32 v61, v60;
	v52 =	vadd.f32 v30, v36;
	v55 =	vmul.f32 v30, v30  }
0xb2: {  	v56 =	vadd.f32 v63, v62;
	v57 =	vadd.f32 v53, v50  }
0xb3: {  	v44 =	vadd.f32 v52, v51;
	v58 =	vadd.f32 v55, v54  }
0xb4: {  	v37 =	vadd.f32 v56, v37  }
0xb5: {  	v59 =	vadd.f32 v58, v57;
	v60 =	vadd.f32 v44, v41;
	_ =	sdelay $0x1  }
0xb6: {  	v61 =	vperm.xlane v60, v1;
	v37 =	vadd.f32 v59, v37;
	_ =	sdelay $0x1  }
0xb7: {  	v62 =	vadd.f32 v60, v61;
	v63 =	vperm.xlane v37, v1;
	_ =	sdelay $0x1  }
0xb8: {  	v40 =	vperm.xlane v62, v2;
	v37 =	vadd.f32 v37, v63;
	_ =	sdelay $0x1  }
0xb9: {  	v38 =	vadd.f32 v62, v40;
	v39 =	vperm.xlane v37, v2;
	_ =	sdelay $0x1  }
0xba: {  	v40 =	vperm.xlane v38, v3;
	v37 =	vadd.f32 v37, v39;
	_ =	sdelay $0x1  }
0xbb: {  	v38 =	vadd.f32 v38, v40;
	v39 =	vperm.xlane v37, v3;
	_ =	sdelay $0x1  }
0xbc: {  	v40 =	vperm.xlane v38, v4;
	v37 =	vadd.f32 v37, v39;
	_ =	sdelay $0x1  }
0xbd: {  	v38 =	vadd.f32 v38, v40;
	v39 =	vperm.xlane v37, v4;
	_ =	sdelay $0x1  }
0xbe: {  	v38 =	vmul.f32 $7.812500000e-03, v38;
	v37 =	vadd.f32 v37, v39;
	_ =	sdelay $0x1  }
0xbf: {  	v37 =	vmul.f32 $7.812500000e-03, v37;
	v43 =	vmul.f32 v38, v38;
	_ =	sdelay $0x1  }
0xc0: {  	v37 =	vsub.f32 v37, v43;
	_ =	sdelay $0x1  }
0xc1: {  	v37 =	vadd.f32 $9.999999740e-06, v37;
	_ =	sdelay $0x1  }
0xc2: {  	v44 =	vshrl.u32 v37, $0x1;
	v37 =	vmul.f32 $5.000000000e-01, v37  }
0xc3: {  	v39 =	vsub.s32 $0x5F3759DF, v44  }
0xc4: {  	v45 =	vmul.f32 v39, v37;
	_ =	sdelay $0x1  }
0xc5: {  	v40 =	vmul.f32 v39, v45;
	_ =	sdelay $0x1  }
0xc6: {  	v40 =	vsub.f32 $1.500000000e+00, v40;
	_ =	sdelay $0x1  }
0xc7: {  	v39 =	vmul.f32 v39, v40;
	_ =	sdelay $0x1  }
0xc8: {  	v40 =	vmul.f32 v39, v37;
	_ =	sdelay $0x1  }
0xc9: {  	v40 =	vmul.f32 v40, v39;
	_ =	sdelay $0x1  }
0xca: {  	v40 =	vsub.f32 $1.500000000e+00, v40;
	_ =	sdelay $0x1  }
0xcb: {  	v39 =	vmul.f32 v40, v39;
	_ =	sdelay $0x1  }
0xcc: {  	v37 =	vmul.f32 v39, v37;
	_ =	sdelay $0x1  }
0xcd: {  	v37 =	vmul.f32 v37, v39;
	_ =	sdelay $0x1  }
0xce: {  	v37 =	vsub.f32 $1.500000000e+00, v37;
	_ =	sdelay $0x1  }
0xcf: {  	v37 =	vmul.f32 v37, v39;
	_ =	sdelay $0x1  }
0xd0: {  	v38 =	vmul.f32 v37, v38  }
0xd1: {  	v39 =	vmul.f32 v37, v13;
	v47 =	vmul.f32 v37, v14  }
0xd2: {  	v50 =	vmul.f32 v37, v15;
	v52 =	vmul.f32 v37, v16  }
0xd3: {  	v54 =	vmul.f32 v37, v17;
	v55 =	vmul.f32 v37, v18  }
0xd4: {  	v58 =	vmul.f32 v37, v19;
	v37 =	vmul.f32 v37, v20;
	v38 =	vsub.f32 $0.0e+00, v38  }
0xd5: {  	v29 =	vmul.f32 v39, v29;
	v31 =	vmul.f32 v47, v31  }
0xd6: {  	v32 =	vmul.f32 v50, v32;
	v46 =	vmul.f32 v38, v13  }
0xd7: {  	v48 =	vmul.f32 v38, v14;
	v51 =	vmul.f32 v38, v15  }
0xd8: {  	v53 =	vmul.f32 v38, v16;
	v56 =	vmul.f32 v38, v17;
	v40 =	vadd.f32 v46, v21  }
0xd9: {  	v57 =	vmul.f32 v38, v18;
	v59 =	vmul.f32 v38, v19;
	v49 =	vadd.f32 v48, v22  }
0xda: {  	v38 =	vmul.f32 v38, v20;
	v41 =	vadd.f32 v51, v23;
	v29 =	vadd.f32 v40, v29  }
0xdb: {  	v34 =	vmul.f32 v52, v34;
	v42 =	vadd.f32 v53, v24;
	v31 =	vadd.f32 v49, v31  }
0xdc: {  	v30 =	vmul.f32 v37, v30;
	v62 =	vadd.f32 v38, v28;
	v32 =	vadd.f32 v41, v32;
	[tilespmem:s23+$0xFFFFFF80] =	vst v29  }
0xdd: {  	v45 =	vld [tilespmem:s23+$0x20];
	v35 =	vmul.f32 v54, v35;
	v34 =	vadd.f32 v42, v34;
	v29 =	vadd.f32 v56, v25;
	[tilespmem:s23+$0xFFFFFF90] =	vst v31  }
0xde: {  	v33 =	vmul.f32 v55, v33;
	v50 =	vld [tilespmem:s23+$0x50];
	v30 =	vadd.f32 v62, v30;
	v31 =	vadd.f32 v57, v26;
	[tilespmem:s23+$0xFFFFFFA0] =	vst v32  }
0xdf: {  	v61 =	vmul.f32 v58, v36;
	v52 =	vld [tilespmem:s23+$0x60];
	v60 =	vadd.f32 v59, v27;
	[tilespmem:s23+$0xFFFFFFB0] =	vst v34;
	v29 =	vadd.f32 v29, v35  }
0xe0: {  	v46 =	vld [tilespmem:s23+$0x30];
	[tilespmem:s23+$0xFFFFFFF0] =	vst v30;
	v31 =	vadd.f32 v31, v33  }
0xe1: {  	v48 =	vld [tilespmem:s23+$0x40];
	[tilespmem:s23+$0xFFFFFFC0] =	vst v29;
	v29 =	vadd.f32 v60, v61  }
0xe2: {  	[tilespmem:s23+$0xFFFFFFD0] =	vst v31;
	v31 =	vld [tilespmem:s23+$0x10]  }
0xe3: {  	[tilespmem:s23+$0xFFFFFFE0] =	vst v29;
	v29 =	vld [tilespmem:s23+$0x0]  }
0xe4: {  	v30 =	vld [tilespmem:s24+$0x0]  }
0xe5: {  	v63 =	vld [tilespmem:s24+$0x10]  }
0xe6: {  	v34 =	vld [tilespmem:s24+$0x20]  }
0xe7: {  	v47 =	vld [tilespmem:s24+$0x30]  }
0xe8: {  	v49 =	vld [tilespmem:s24+$0x40]  }
0xe9: {  	v51 =	vld [tilespmem:s24+$0x50]  }
0xea: {  	v53 =	vld [tilespmem:s24+$0x60];
	_ =	sdelay $0x1  }
0xeb: {  	v29 =	vadd.f32 v30, v29;
	v31 =	vadd.f32 v63, v31  }
0xec: {  	v55 =	vld [tilespmem:s24+$0x70];
	v54 =	vadd.f32 v34, v45;
	v56 =	vadd.f32 v47, v46  }
0xed: {  	v30 =	vld [tilespmem:s23+$0x70];
	v57 =	vadd.f32 v49, v48;
	v58 =	vadd.f32 v51, v50  }
0xee: {  	v59 =	vadd.f32 v53, v52;
	v29 =	vadd.f32 v29, v5  }
0xef: {  	v31 =	vadd.f32 v31, v6;
	v32 =	vadd.f32 v54, v7  }
0xf0: {  	v34 =	vadd.f32 v56, v8;
	v35 =	vadd.f32 v57, v9  }
0xf1: {  	v33 =	vadd.f32 v58, v10;
	v36 =	vadd.f32 v59, v11;
	v60 =	vmul.f32 v29, v29  }
0xf2: {  	v61 =	vmul.f32 v31, v31;
	v62 =	vmul.f32 v32, v32;
	v30 =	vadd.f32 v55, v30  }
0xf3: {  	v63 =	vmul.f32 v34, v34;
	v48 =	vadd.f32 v31, v29;
	v49 =	vadd.f32 v34, v32  }
0xf4: {  	v50 =	vmul.f32 v35, v35;
	v51 =	vadd.f32 v33, v35;
	v30 =	vadd.f32 v30, v12  }
0xf5: {  	v53 =	vmul.f32 v33, v33;
	v54 =	vmul.f32 v36, v36;
	v41 =	vadd.f32 v49, v48  }
0xf6: {  	v37 =	vadd.f32 v61, v60;
	v52 =	vadd.f32 v30, v36;
	v55 =	vmul.f32 v30, v30  }
0xf7: {  	v56 =	vadd.f32 v63, v62;
	v57 =	vadd.f32 v53, v50  }
0xf8: {  	v44 =	vadd.f32 v52, v51;
	v58 =	vadd.f32 v55, v54  }
0xf9: {  	v37 =	vadd.f32 v56, v37  }
0xfa: {  	v59 =	vadd.f32 v58, v57;
	v60 =	vadd.f32 v44, v41;
	_ =	sdelay $0x1  }
0xfb: {  	v61 =	vperm.xlane v60, v1;
	v37 =	vadd.f32 v59, v37;
	_ =	sdelay $0x1  }
0xfc: {  	v62 =	vadd.f32 v60, v61;
	v63 =	vperm.xlane v37, v1;
	_ =	sdelay $0x1  }
0xfd: {  	v40 =	vperm.xlane v62, v2;
	v37 =	vadd.f32 v37, v63;
	_ =	sdelay $0x1  }
0xfe: {  	v38 =	vadd.f32 v62, v40;
	v39 =	vperm.xlane v37, v2;
	_ =	sdelay $0x1  }
0xff: {  	v40 =	vperm.xlane v38, v3;
	v37 =	vadd.f32 v37, v39;
	_ =	sdelay $0x1  }
0x100: {  	v38 =	vadd.f32 v38, v40;
	v39 =	vperm.xlane v37, v3;
	_ =	sdelay $0x1  }
0x101: {  	v40 =	vperm.xlane v38, v4;
	v37 =	vadd.f32 v37, v39;
	_ =	sdelay $0x1  }
0x102: {  	v38 =	vadd.f32 v38, v40;
	v39 =	vperm.xlane v37, v4;
	_ =	sdelay $0x1  }
0x103: {  	v38 =	vmul.f32 $7.812500000e-03, v38;
	v37 =	vadd.f32 v37, v39;
	_ =	sdelay $0x1  }
0x104: {  	v37 =	vmul.f32 $7.812500000e-03, v37;
	v43 =	vmul.f32 v38, v38;
	_ =	sdelay $0x1  }
0x105: {  	v37 =	vsub.f32 v37, v43;
	_ =	sdelay $0x1  }
0x106: {  	v37 =	vadd.f32 $9.999999740e-06, v37;
	_ =	sdelay $0x1  }
0x107: {  	v44 =	vshrl.u32 v37, $0x1;
	v37 =	vmul.f32 $5.000000000e-01, v37  }
0x108: {  	v39 =	vsub.s32 $0x5F3759DF, v44  }
0x109: {  	v45 =	vmul.f32 v39, v37;
	_ =	sdelay $0x1  }
0x10a: {  	v40 =	vmul.f32 v39, v45;
	_ =	sdelay $0x1  }
0x10b: {  	v40 =	vsub.f32 $1.500000000e+00, v40;
	_ =	sdelay $0x1  }
0x10c: {  	v39 =	vmul.f32 v39, v40;
	_ =	sdelay $0x1  }
0x10d: {  	v40 =	vmul.f32 v39, v37;
	_ =	sdelay $0x1  }
0x10e: {  	v40 =	vmul.f32 v40, v39;
	_ =	sdelay $0x1  }
0x10f: {  	v40 =	vsub.f32 $1.500000000e+00, v40;
	_ =	sdelay $0x1  }
0x110: {  	v39 =	vmul.f32 v40, v39;
	_ =	sdelay $0x1  }
0x111: {  	v37 =	vmul.f32 v39, v37;
	_ =	sdelay $0x1  }
0x112: {  	v37 =	vmul.f32 v37, v39;
	_ =	sdelay $0x1  }
0x113: {  	v37 =	vsub.f32 $1.500000000e+00, v37;
	_ =	sdelay $0x1  }
0x114: {  	v37 =	vmul.f32 v37, v39;
	_ =	sdelay $0x1  }
0x115: {  	v38 =	vmul.f32 v37, v38  }
0x116: {  	v39 =	vmul.f32 v37, v13;
	v47 =	vmul.f32 v37, v14  }
0x117: {  	v50 =	vmul.f32 v37, v15;
	v52 =	vmul.f32 v37, v16  }
0x118: {  	v54 =	vmul.f32 v37, v17;
	v55 =	vmul.f32 v37, v18  }
0x119: {  	v58 =	vmul.f32 v37, v19;
	v37 =	vmul.f32 v37, v20;
	v38 =	vsub.f32 $0.0e+00, v38  }
0x11a: {  	v29 =	vmul.f32 v39, v29;
	v31 =	vmul.f32 v47, v31  }
0x11b: {  	v32 =	vmul.f32 v50, v32;
	v46 =	vmul.f32 v38, v13  }
0x11c: {  	v48 =	vmul.f32 v38, v14;
	v51 =	vmul.f32 v38, v15  }
0x11d: {  	v53 =	vmul.f32 v38, v16;
	v56 =	vmul.f32 v38, v17;
	v40 =	vadd.f32 v46, v21  }
0x11e: {  	v57 =	vmul.f32 v38, v18;
	v59 =	vmul.f32 v38, v19;
	v49 =	vadd.f32 v48, v22  }
0x11f: {  	v38 =	vmul.f32 v38, v20;
	v41 =	vadd.f32 v51, v23;
	v29 =	vadd.f32 v40, v29  }
0x120: {  	v34 =	vmul.f32 v52, v34;
	v42 =	vadd.f32 v53, v24;
	v31 =	vadd.f32 v49, v31  }
0x121: {  	v30 =	vmul.f32 v37, v30;
	v62 =	vadd.f32 v38, v28;
	v32 =	vadd.f32 v41, v32;
	[tilespmem:s23+$0x0] =	vst v29  }
0x122: {  	v45 =	vld [tilespmem:s23+$0xA0];
	v35 =	vmul.f32 v54, v35;
	v34 =	vadd.f32 v42, v34;
	v29 =	vadd.f32 v56, v25;
	[tilespmem:s23+$0x10] =	vst v31  }
0x123: {  	v33 =	vmul.f32 v55, v33;
	v50 =	vld [tilespmem:s23+$0xD0];
	v30 =	vadd.f32 v62, v30;
	v31 =	vadd.f32 v57, v26;
	[tilespmem:s23+$0x20] =	vst v32  }
0x124: {  	v61 =	vmul.f32 v58, v36;
	v52 =	vld [tilespmem:s23+$0xE0];
	v60 =	vadd.f32 v59, v27;
	[tilespmem:s23+$0x30] =	vst v34;
	v29 =	vadd.f32 v29, v35  }
0x125: {  	v46 =	vld [tilespmem:s23+$0xB0];
	[tilespmem:s23+$0x70] =	vst v30;
	v31 =	vadd.f32 v31, v33  }
0x126: {  	v48 =	vld [tilespmem:s23+$0xC0];
	[tilespmem:s23+$0x40] =	vst v29;
	v29 =	vadd.f32 v60, v61  }
0x127: {  	[tilespmem:s23+$0x50] =	vst v31;
	v31 =	vld [tilespmem:s23+$0x90]  }
0x128: {  	[tilespmem:s23+$0x60] =	vst v29;
	v29 =	vld [tilespmem:s23+$0x80]  }
0x129: {  	v30 =	vld [tilespmem:s24+$0x80]  }
0x12a: {  	v63 =	vld [tilespmem:s24+$0x90]  }
0x12b: {  	v34 =	vld [tilespmem:s24+$0xA0]  }
0x12c: {  	v47 =	vld [tilespmem:s24+$0xB0]  }
0x12d: {  	v49 =	vld [tilespmem:s24+$0xC0]  }
0x12e: {  	v51 =	vld [tilespmem:s24+$0xD0]  }
0x12f: {  	v53 =	vld [tilespmem:s24+$0xE0];
	_ =	sdelay $0x1  }
0x130: {  	v29 =	vadd.f32 v30, v29;
	v31 =	vadd.f32 v63, v31  }
0x131: {  	v55 =	vld [tilespmem:s24+$0xF0];
	v54 =	vadd.f32 v34, v45;
	v56 =	vadd.f32 v47, v46  }
0x132: {  	v30 =	vld [tilespmem:s23+$0xF0];
	v57 =	vadd.f32 v49, v48;
	v58 =	vadd.f32 v51, v50  }
0x133: {  	v59 =	vadd.f32 v53, v52;
	v29 =	vadd.f32 v29, v5  }
0x134: {  	v31 =	vadd.f32 v31, v6;
	v32 =	vadd.f32 v54, v7  }
0x135: {  	v34 =	vadd.f32 v56, v8;
	v35 =	vadd.f32 v57, v9  }
0x136: {  	v33 =	vadd.f32 v58, v10;
	v36 =	vadd.f32 v59, v11;
	v60 =	vmul.f32 v29, v29  }
0x137: {  	v61 =	vmul.f32 v31, v31;
	v62 =	vmul.f32 v32, v32;
	v30 =	vadd.f32 v55, v30  }
0x138: {  	v63 =	vmul.f32 v34, v34;
	v48 =	vadd.f32 v31, v29;
	v49 =	vadd.f32 v34, v32  }
0x139: {  	v50 =	vmul.f32 v35, v35;
	v51 =	vadd.f32 v33, v35;
	v30 =	vadd.f32 v30, v12  }
0x13a: {  	v53 =	vmul.f32 v33, v33;
	v54 =	vmul.f32 v36, v36;
	v41 =	vadd.f32 v49, v48  }
0x13b: {  	v37 =	vadd.f32 v61, v60;
	v52 =	vadd.f32 v30, v36;
	v55 =	vmul.f32 v30, v30  }
0x13c: {  	v56 =	vadd.f32 v63, v62;
	v57 =	vadd.f32 v53, v50  }
0x13d: {  	v44 =	vadd.f32 v52, v51;
	v58 =	vadd.f32 v55, v54  }
0x13e: {  	v37 =	vadd.f32 v56, v37  }
0x13f: {  	v59 =	vadd.f32 v58, v57;
	v60 =	vadd.f32 v44, v41;
	_ =	sdelay $0x1  }
0x140: {  	v61 =	vperm.xlane v60, v1;
	v37 =	vadd.f32 v59, v37;
	_ =	sdelay $0x1  }
0x141: {  	v62 =	vadd.f32 v60, v61;
	v63 =	vperm.xlane v37, v1;
	_ =	sdelay $0x1  }
0x142: {  	v40 =	vperm.xlane v62, v2;
	v37 =	vadd.f32 v37, v63;
	_ =	sdelay $0x1  }
0x143: {  	v38 =	vadd.f32 v62, v40;
	v39 =	vperm.xlane v37, v2;
	_ =	sdelay $0x1  }
0x144: {  	v40 =	vperm.xlane v38, v3;
	v37 =	vadd.f32 v37, v39;
	_ =	sdelay $0x1  }
0x145: {  	v38 =	vadd.f32 v38, v40;
	v39 =	vperm.xlane v37, v3;
	_ =	sdelay $0x1  }
0x146: {  	v40 =	vperm.xlane v38, v4;
	v37 =	vadd.f32 v37, v39;
	_ =	sdelay $0x1  }
0x147: {  	v38 =	vadd.f32 v38, v40;
	v39 =	vperm.xlane v37, v4;
	_ =	sdelay $0x1  }
0x148: {  	v38 =	vmul.f32 $7.812500000e-03, v38;
	v37 =	vadd.f32 v37, v39;
	_ =	sdelay $0x1  }
0x149: {  	v37 =	vmul.f32 $7.812500000e-03, v37;
	v44 =	vmul.f32 v38, v38;
	_ =	sdelay $0x1  }
0x14a: {  	v37 =	vsub.f32 v37, v44;
	_ =	sdelay $0x1  }
0x14b: {  	v37 =	vadd.f32 $9.999999740e-06, v37;
	_ =	sdelay $0x1  }
0x14c: {  	v45 =	vshrl.u32 v37, $0x1;
	v37 =	vmul.f32 $5.000000000e-01, v37  }
0x14d: {  	v39 =	vsub.s32 $0x5F3759DF, v45  }
0x14e: {  	v46 =	vmul.f32 v39, v37;
	_ =	sdelay $0x1  }
0x14f: {  	v40 =	vmul.f32 v39, v46;
	_ =	sdelay $0x1  }
0x150: {  	v40 =	vsub.f32 $1.500000000e+00, v40;
	_ =	sdelay $0x1  }
0x151: {  	v39 =	vmul.f32 v39, v40;
	_ =	sdelay $0x1  }
0x152: {  	v40 =	vmul.f32 v39, v37;
	_ =	sdelay $0x1  }
0x153: {  	v40 =	vmul.f32 v40, v39;
	_ =	sdelay $0x1  }
0x154: {  	v40 =	vsub.f32 $1.500000000e+00, v40;
	_ =	sdelay $0x1  }
0x155: {  	v39 =	vmul.f32 v40, v39;
	_ =	sdelay $0x1  }
0x156: {  	v37 =	vmul.f32 v39, v37;
	_ =	sdelay $0x1  }
0x157: {  	v37 =	vmul.f32 v37, v39;
	_ =	sdelay $0x1  }
0x158: {  	v37 =	vsub.f32 $1.500000000e+00, v37;
	_ =	sdelay $0x1  }
0x159: {  	v37 =	vmul.f32 v37, v39;
	_ =	sdelay $0x1  }
0x15a: {  	v38 =	vmul.f32 v37, v38  }
0x15b: {  	v39 =	vmul.f32 v37, v13;
	v48 =	vmul.f32 v37, v14  }
0x15c: {  	v51 =	vmul.f32 v37, v15;
	v53 =	vmul.f32 v37, v16  }
0x15d: {  	v55 =	vmul.f32 v37, v17;
	v56 =	vmul.f32 v37, v18  }
0x15e: {  	v59 =	vmul.f32 v37, v19;
	v37 =	vmul.f32 v37, v20;
	v38 =	vsub.f32 $0.0e+00, v38  }
0x15f: {  	v29 =	vmul.f32 v39, v29;
	v31 =	vmul.f32 v48, v31  }
0x160: {  	v32 =	vmul.f32 v51, v32;
	v47 =	vmul.f32 v38, v13  }
0x161: {  	v49 =	vmul.f32 v38, v14;
	v52 =	vmul.f32 v38, v15  }
0x162: {  	v54 =	vmul.f32 v38, v16;
	v57 =	vmul.f32 v38, v17;
	v40 =	vadd.f32 v47, v21  }
0x163: {  	v58 =	vmul.f32 v38, v18;
	v60 =	vmul.f32 v38, v19;
	v50 =	vadd.f32 v49, v22  }
0x164: {  	v38 =	vmul.f32 v38, v20;
	v41 =	vadd.f32 v52, v23;
	v29 =	vadd.f32 v40, v29  }
0x165: {  	v34 =	vmul.f32 v53, v34;
	v42 =	vadd.f32 v54, v24;
	v31 =	vadd.f32 v50, v31  }
0x166: {  	v30 =	vmul.f32 v37, v30;
	v63 =	vadd.f32 v38, v28;
	v32 =	vadd.f32 v41, v32;
	[tilespmem:s23+$0x80] =	vst v29  }
0x167: {  	s22 =	sadd.s32 $0x4, s22;
	v35 =	vmul.f32 v55, v35;
	v34 =	vadd.f32 v42, v34;
	v29 =	vadd.f32 v57, v25;
	[tilespmem:s23+$0x90] =	vst v31  }
0x168: {  	p0 =	slt.u32 s22, $0x3C;
	v33 =	vmul.f32 v56, v33;
	v30 =	vadd.f32 v63, v30;
	v31 =	vadd.f32 v58, v26;
	[tilespmem:s23+$0xA0] =	vst v32  }
.Ltmp0:
0x169: {  	v62 =	vmul.f32 v59, v36;
	v61 =	vadd.f32 v60, v27;
	[tilespmem:s23+$0xB0] =	vst v34;
	v29 =	vadd.f32 v29, v35;
	(pc) =	sbr.rel @p0 .LBB2_2-.Ltmp0, $4  }
0x16a: {  	[tilespmem:s23+$0xF0] =	vst v30;
	v31 =	vadd.f32 v31, v33  }
0x16b: {  	[tilespmem:s23+$0xC0] =	vst v29;
	v29 =	vadd.f32 v61, v62  }
0x16c: {  	[tilespmem:s23+$0xD0] =	vst v31  }
0x16d: {  	s24 =	sadd.s32 $0x200, s24;
	[tilespmem:s23+$0xE0] =	vst v29;
	s23 =	sadd.s32 $0x200, s23  }
0x16e: {  	s21 =	sadd.s32 $0x1, s21  }
0x16f: {  	p0 =	sne.s32 s21, s11  }
.Ltmp1:
0x170: {  	_ = 	snop;
	(pc) =	sbr.rel @p0 .LBB2_1-.Ltmp1, $4  }
0x171: {  	[hbm4b:s10+s4] =	stream.linear.scatter [tilespmem:s14], [sflag:$0x2], $0x2000, $0x38;
	[tilespmem:$0x4280] =	vst v63  }
0x172: {  	_ =	swait.ge [sflag:s12], $0x2000  }
0x173: {  	[sflag:s12] =	ssyncset.done $0x0  }
0x174: {  	[sflag:s12] =	ssyncadd.s32 $0xFFFFE000  }
0x175: {  	_ =	sfence.sel $0x180000  }
0x176: {  	[bflag:$0x0] =	sbarrier.arrive $0xFFFF  }
0x177: {  	p0 =	sne.s32 s5, $0x0;
	_ =	strace $0x90000047  }
0x178: {  	s0 =	sadd.s32 @!p0 $0x100000, s1;
	[bflag:$0x2] =	sbarrier.arrive $0xFFFF  }
0x179: {  	[sflag:s0] =	ssyncadd.tile.s32 @!p0 $0x1;
	_ =	shalt  }
.Lfunc_end2:
_tile_overlayer_lowered:
.L_overlay_start_2:
0x17a: {  	(tag) =	ssettag $0x2  }
0x17b: {  	s0 =	rddreg [dreg:$0x0];
	s2 =	stileid.u32  }
0x17c: {  	s1 =	rddreg [dreg:$0x1];
	p0 =	sne.s32 s2, $0x0  }
0x17d: {  	s3 =	rddreg [dreg:$0x2];
	[bflag:$0x3] =	sbarrier.arrive $0xFFFF;
	s2 =	simm.s32 @!p0 $0x1C02  }
0x17e: {  	[timem:s3], [sflag:s2] =	dma.local @!p0 [hbm:s0], s1  }
0x17f: {  	s0 =	simm.s32 @!p0 $0x2  }
0x180: {  	_ =	swait.ge @!p0 [sflag:s0], s1  }
0x181: {  	s1 =	ssub.s32 @!p0 $0x0, s1;
	[sflag:s0] =	ssyncset.done @!p0 $0x0  }
0x182: {  	[sflag:s0] =	ssyncadd.s32 @!p0 s1  }
0x183: {  	[bflag:$0x3] =	sbarrier.arrive $0xFFFF  }
0x184: {  	_ =	shalt  }

</sc_bundles>
